<compile_context>
chip_gen: v7x
topology: tpu7x:2x2x1
jax: 0.10.2.dev20260603
libtpu: 0.0.44.dev20260713+nightly
codegen_flags: <defaults>
</compile_context>

<pallas_src>
import functools

import jax
import jax.numpy as jnp
from jax import lax
from jax.experimental import pallas as pl
from jax.experimental.pallas import tpu as pltpu
from jax.experimental.pallas import tpu_sc as plsc

N_FIELDS = 26
VOCAB = 100000
EMBED = 32
BATCH = 16384
NROWS = N_FIELDS * EMBED

_INFO = plsc.get_sparse_core_info()
_NC = _INFO.num_cores
_NS = _INFO.num_subcores
NW = _NC * _NS
LANES = 16
NB = 4096
NCHUNK = BATCH // NB


NPAIR = 16
NTASK = 13


def _body(tab_hbm, x_hbm, out_hbm, line_v, xline, ob0, ob1,
          lsem, xsem, osem0, osem1):
    w = lax.axis_index("s") * _NC + lax.axis_index("c")
    ob = (ob0, ob1)
    osem = (osem0, osem1)

    def line_start(row):
        pltpu.make_async_copy(tab_hbm.at[row, :], line_v, lsem).start()

    def line_wait():
        pltpu.make_async_copy(tab_hbm.at[0, :], line_v, lsem).wait()

    def xline_start(f):
        pltpu.make_async_copy(x_hbm.at[f, :], xline, xsem).start()

    def xline_wait():
        pltpu.make_async_copy(x_hbm.at[0, :], xline, xsem).wait()

    def out_start(row, c):
        pltpu.make_async_copy(
            ob[c % 2], out_hbm.at[row, pl.ds(c * NB, NB)], osem[c % 2]).start()

    def out_wait(c):
        pltpu.make_async_copy(
            ob[c % 2], out_hbm.at[0, pl.ds(0, NB)], osem[c % 2]).wait()

    p = lax.rem(w, NPAIR)
    fbase = w // NPAIR

    line_start((fbase * EMBED) + 2 * p)
    xline_start(fbase)

    def gather_line(row):
        for c in range(NCHUNK):
            if c >= 2:
                out_wait(c - 2)
            obuf = ob[c % 2]
            cbase = c * NB

            @plsc.parallel_loop(0, NB // LANES, step=1, unroll=8)
            def _gather(j):
                s = j * LANES
                v = xline[pl.ds(cbase + s, LANES)]
                obuf[pl.ds(s, LANES)] = plsc.load_gather(line_v, [v])

            out_start(row, c)

    def tail_waits():
        out_wait(NCHUNK - 2)
        out_wait(NCHUNK - 1)

    def task(k, carry):
        f = fbase + 2 * k
        row0 = f * EMBED + 2 * p

        line_wait()
        xline_wait()
        gather_line(row0)
        line_start(row0 + 1)
        tail_waits()
        line_wait()
        gather_line(row0 + 1)

        @pl.when(k + 1 < NTASK)
        def _():
            line_start((fbase + 2 * (k + 1)) * EMBED + 2 * p)
            xline_start(fbase + 2 * (k + 1))

        tail_waits()
        return carry

    lax.fori_loop(0, NTASK, task, 0)


def _fixed_body(tab_hbm, x_hbm, out_hbm, line_v, xline, ob0, ob1,
                lsem, xsem, osem0, osem1):
    _body(tab_hbm, x_hbm, out_hbm, line_v, xline, ob0, ob1,
          lsem, xsem, osem0, osem1)


_gather_call = functools.partial(
    pl.kernel,
    out_type=jax.ShapeDtypeStruct((NROWS, BATCH), jnp.float32),
    mesh=plsc.VectorSubcoreMesh(core_axis_name="c", subcore_axis_name="s"),
    compiler_params=pltpu.CompilerParams(
        use_tc_tiling_on_sc=True, needs_layout_passes=False),
    scratch_types=[
        pltpu.VMEM((VOCAB,), jnp.float32),
        pltpu.VMEM((BATCH,), jnp.int32),
        pltpu.VMEM((NB,), jnp.float32),
        pltpu.VMEM((NB,), jnp.float32),
        pltpu.SemaphoreType.DMA,
        pltpu.SemaphoreType.DMA,
        pltpu.SemaphoreType.DMA,
        pltpu.SemaphoreType.DMA,
    ],
)(_fixed_body)


def kernel(x, tables):
    xt = jnp.swapaxes(x, 0, 1)
    tab2 = jnp.swapaxes(tables, 1, 2).reshape(NROWS, VOCAB)
    out_t = _gather_call(tab2, xt)
    return jnp.swapaxes(out_t, 0, 1)

# --- scband reference (transcript-rebuilt; emitter-appended) ---
"""Pipeline reference for scband-one-hot-embedding-40879498728955 (READ-ONLY COPY).

The authoritative reference and input builder live on the scoring server;
editing this copy changes nothing except your own understanding.
"""

import jax, jax.numpy as jnp
import numpy as np

N_FIELDS = 26
VOCAB = 100000
EMBED_DIM = 32
BATCH = 16384


def setup_inputs(seed: int = 0) -> dict:
    key = jax.random.key(seed)
    k1, k2 = jax.random.split(key)
    x = jax.random.randint(k1, (BATCH, N_FIELDS), 0, VOCAB, dtype=jnp.int32)
    # One embedding table per one-hot field, stacked: (n_fields, vocab, embed_dim)
    tables = jax.random.normal(k2, (N_FIELDS, VOCAB, EMBED_DIM), dtype=jnp.float32) * 0.01
    return {"x": x, "tables": tables}


def reference(x, tables):
    # Faithful translation of OneHotEmbedding.forward with flat=True:
    # each field: embed_i(x[:, i:i+1]) -> (n, 1, embed_dim); concat on dim=2; squeeze.
    embedding_list = []
    for i in range(x.shape[1]):
        emb_i = jnp.take(tables[i], x[:, i:i + 1], axis=0)  # (n, 1, embed_dim)
        embedding_list.append(emb_i)
    embedding = jnp.concatenate(embedding_list, axis=2)  # (n, 1, n_fields*embed_dim)
    embedding = jnp.squeeze(embedding, axis=1)  # (n, n_fields*embed_dim)
    return embedding

if __name__ == "__main__":
    import jax
    _d = setup_inputs()
    print(jax.jit(kernel)(*tuple(_d.values())))

</pallas_src>

<mosaic_0001>
#map = affine_map<(d0, d1) -> (0, 0)>
module attributes {stable_mosaic.version = 14 : i64} {
  func.func @_fixed_body(%arg0: i32, %arg1: i32, %arg2: memref<832x100000xf32, #tpu.memory_space<hbm>>, %arg3: memref<26x16384xi32, #tpu.memory_space<hbm>>, %arg4: memref<832x16384xf32, #tpu.memory_space<hbm>>, %arg5: memref<100000xf32, #tpu.memory_space<vmem>>, %arg6: memref<16384xi32, #tpu.memory_space<vmem>>, %arg7: memref<4096xf32, #tpu.memory_space<vmem>>, %arg8: memref<4096xf32, #tpu.memory_space<vmem>>, %arg9: memref<!tpu.dma_semaphore, #tpu.memory_space<semaphore_mem>>, %arg10: memref<!tpu.dma_semaphore, #tpu.memory_space<semaphore_mem>>, %arg11: memref<!tpu.dma_semaphore, #tpu.memory_space<semaphore_mem>>, %arg12: memref<!tpu.dma_semaphore, #tpu.memory_space<semaphore_mem>>) attributes {dimension_semantics = [#tpu.dimension_semantics<core_parallel>, #tpu.dimension_semantics<subcore_parallel>], iteration_bounds = array<i64: 2, 16>, scalar_prefetch = 0 : i64, scratch_operands = 8 : i64, tpu.core_type = #tpu.core_type<sc_vector_subcore>, window_params = [{transform_indices = #map}, {transform_indices = #map}, {transform_indices = #map}]} {
    %mul3A = arith.constant 2 : i32
    %mul3A_0 = arith.muli %arg1, %mul3A : i32
    %add3A = arith.addi %mul3A_0, %arg0 : i32
    %rem3A = arith.constant 16 : i32
    %rem3A_1 = arith.remsi %add3A, %rem3A : i32
    %jit3A = arith.constant 16 : i32
    %div3A = arith.divsi %add3A, %jit3A : i32
    %sign3A = arith.constant 0 : i32
    %sign3A_2 = arith.cmpi sgt, %add3A, %sign3A : i32
    %sign3A_3 = arith.extui %sign3A_2 : i1 to i32
    %sign3A_4 = arith.constant 0 : i32
    %sign3A_5 = arith.cmpi slt, %add3A, %sign3A_4 : i32
    %sign3A_6 = arith.extui %sign3A_5 : i1 to i32
    %sign3A_7 = arith.subi %sign3A_3, %sign3A_6 : i32
    %sign3A_8 = arith.constant 0 : i32
    %sign3A_9 = arith.cmpi sgt, %jit3A, %sign3A_8 : i32
    %sign3A_10 = arith.extui %sign3A_9 : i1 to i32
    %sign3A_11 = arith.constant 0 : i32
    %sign3A_12 = arith.cmpi slt, %jit3A, %sign3A_11 : i32
    %sign3A_13 = arith.extui %sign3A_12 : i1 to i32
    %sign3A_14 = arith.subi %sign3A_10, %sign3A_13 : i32
    %ne3A = arith.cmpi ne, %sign3A_7, %sign3A_14 : i32
    %rem3A_15 = arith.remsi %add3A, %jit3A : i32
    %ne3A_16 = arith.constant 0 : i32
    %ne3A_17 = arith.cmpi ne, %rem3A_15, %ne3A_16 : i32
    %and3A = arith.andi %ne3A, %ne3A_17 : i1
    %sub3A = arith.constant 1 : i32
    %sub3A_18 = arith.subi %div3A, %sub3A : i32
    %select_n3A = arith.select %and3A, %sub3A_18, %div3A : i32
    %mul3A_19 = arith.constant 32 : i32
    %mul3A_20 = arith.muli %select_n3A, %mul3A_19 : i32
    %mul3A_21 = arith.constant 2 : i32
    %mul3A_22 = arith.muli %mul3A_21, %rem3A_1 : i32
    %add3A_23 = arith.addi %mul3A_20, %mul3A_22 : i32
    %dma_start3A = arith.constant 0 : i32
    %dma_start3A_24 = tpu.memref_slice %arg2[%add3A_23, %dma_start3A] : memref<832x100000xf32, #tpu.memory_space<hbm>> -> memref<1x100000xf32, #tpu.memory_space<hbm>>
    %dma_start3A_25 = tpu.memref_squeeze %dma_start3A_24 : memref<1x100000xf32, #tpu.memory_space<hbm>> -> memref<100000xf32, #tpu.memory_space<hbm>>
    %dma_start3A_26 = arith.constant 0 : i32
    %dma_start3A_27 = tpu.memref_slice %arg2[%add3A_23, %dma_start3A_26] : memref<832x100000xf32, #tpu.memory_space<hbm>> -> memref<1x100000xf32, #tpu.memory_space<hbm>>
    %dma_start3A_28 = tpu.memref_squeeze %dma_start3A_27 : memref<1x100000xf32, #tpu.memory_space<hbm>> -> memref<100000xf32, #tpu.memory_space<hbm>>
    tpu.enqueue_dma source(%dma_start3A_28 : memref<100000xf32, #tpu.memory_space<hbm>>) target(%arg5 : memref<100000xf32, #tpu.memory_space<vmem>>) target_semaphore(%arg9 : memref<!tpu.dma_semaphore, #tpu.memory_space<semaphore_mem>>)
    %dma_start3A_29 = arith.constant 0 : i32
    %dma_start3A_30 = tpu.memref_slice %arg3[%select_n3A, %dma_start3A_29] : memref<26x16384xi32, #tpu.memory_space<hbm>> -> memref<1x16384xi32, #tpu.memory_space<hbm>>
    %dma_start3A_31 = tpu.memref_squeeze %dma_start3A_30 : memref<1x16384xi32, #tpu.memory_space<hbm>> -> memref<16384xi32, #tpu.memory_space<hbm>>
    %dma_start3A_32 = arith.constant 0 : i32
    %dma_start3A_33 = tpu.memref_slice %arg3[%select_n3A, %dma_start3A_32] : memref<26x16384xi32, #tpu.memory_space<hbm>> -> memref<1x16384xi32, #tpu.memory_space<hbm>>
    %dma_start3A_34 = tpu.memref_squeeze %dma_start3A_33 : memref<1x16384xi32, #tpu.memory_space<hbm>> -> memref<16384xi32, #tpu.memory_space<hbm>>
    tpu.enqueue_dma source(%dma_start3A_34 : memref<16384xi32, #tpu.memory_space<hbm>>) target(%arg6 : memref<16384xi32, #tpu.memory_space<vmem>>) target_semaphore(%arg10 : memref<!tpu.dma_semaphore, #tpu.memory_space<semaphore_mem>>)
    %scan3A = arith.constant 0 : i32
    %scan3A_35 = arith.constant 0 : i32
    %scan3A_36 = arith.constant 13 : i32
    %scan3A_37 = arith.addi %scan3A_35, %scan3A_36 : i32
    %scan3A_38 = arith.constant 1 : i32
    scf.for %scan3A_40 = %scan3A_35 to %scan3A_37 step %scan3A_38  : i32 {
      %mul3A_41 = arith.constant 2 : i32
      %mul3A_42 = arith.muli %mul3A_41, %scan3A_40 : i32
      %add3A_43 = arith.addi %select_n3A, %mul3A_42 : i32
      %mul3A_44 = arith.constant 32 : i32
      %mul3A_45 = arith.muli %add3A_43, %mul3A_44 : i32
      %mul3A_46 = arith.constant 2 : i32
      %mul3A_47 = arith.muli %mul3A_46, %rem3A_1 : i32
      %add3A_48 = arith.addi %mul3A_45, %mul3A_47 : i32
      %dma_wait3A = arith.constant 0 : i32
      %dma_wait3A_49 = arith.constant 0 : i32
      %dma_wait3A_50 = tpu.memref_slice %arg2[%dma_wait3A, %dma_wait3A_49] : memref<832x100000xf32, #tpu.memory_space<hbm>> -> memref<1x100000xf32, #tpu.memory_space<hbm>>
      %dma_wait3A_51 = tpu.memref_squeeze %dma_wait3A_50 : memref<1x100000xf32, #tpu.memory_space<hbm>> -> memref<100000xf32, #tpu.memory_space<hbm>>
      %dma_wait3A_52 = arith.constant 0 : i32
      %dma_wait3A_53 = tpu.memref_slice %arg2[%dma_wait3A, %dma_wait3A_52] : memref<832x100000xf32, #tpu.memory_space<hbm>> -> memref<1x100000xf32, #tpu.memory_space<hbm>>
      %dma_wait3A_54 = tpu.memref_squeeze %dma_wait3A_53 : memref<1x100000xf32, #tpu.memory_space<hbm>> -> memref<100000xf32, #tpu.memory_space<hbm>>
      tpu.wait_dma2 semaphore(%arg9 : memref<!tpu.dma_semaphore, #tpu.memory_space<semaphore_mem>>) src(%dma_wait3A_54 : memref<100000xf32, #tpu.memory_space<hbm>>) dst(%arg5 : memref<100000xf32, #tpu.memory_space<vmem>>)
      %dma_wait3A_55 = arith.constant 0 : i32
      %dma_wait3A_56 = arith.constant 0 : i32
      %dma_wait3A_57 = tpu.memref_slice %arg3[%dma_wait3A_55, %dma_wait3A_56] : memref<26x16384xi32, #tpu.memory_space<hbm>> -> memref<1x16384xi32, #tpu.memory_space<hbm>>
      %dma_wait3A_58 = tpu.memref_squeeze %dma_wait3A_57 : memref<1x16384xi32, #tpu.memory_space<hbm>> -> memref<16384xi32, #tpu.memory_space<hbm>>
      %dma_wait3A_59 = arith.constant 0 : i32
      %dma_wait3A_60 = tpu.memref_slice %arg3[%dma_wait3A_55, %dma_wait3A_59] : memref<26x16384xi32, #tpu.memory_space<hbm>> -> memref<1x16384xi32, #tpu.memory_space<hbm>>
      %dma_wait3A_61 = tpu.memref_squeeze %dma_wait3A_60 : memref<1x16384xi32, #tpu.memory_space<hbm>> -> memref<16384xi32, #tpu.memory_space<hbm>>
      tpu.wait_dma2 semaphore(%arg10 : memref<!tpu.dma_semaphore, #tpu.memory_space<semaphore_mem>>) src(%dma_wait3A_61 : memref<16384xi32, #tpu.memory_space<hbm>>) dst(%arg6 : memref<16384xi32, #tpu.memory_space<vmem>>)
      %parallel_loop3A = arith.constant 0 : i32
      %parallel_loop3A_62 = arith.constant 256 : i32
      %parallel_loop3A_63 = arith.constant 1 : i32
      scf.for %parallel_loop3A_210 = %parallel_loop3A to %parallel_loop3A_62 step %parallel_loop3A_63  : i32 {
        %parallel_loop3A_211 = arith.constant 16 : i32
        %parallel_loop3A_212 = arith.muli %parallel_loop3A_210, %parallel_loop3A_211 : i32
        %parallel_loop3A_213 = arith.constant 0 : i32
        %parallel_loop3A_214 = arith.addi %parallel_loop3A_213, %parallel_loop3A_212 : i32
        %parallel_loop3A_215 = arith.index_cast %parallel_loop3A_214 : i32 to index
        %parallel_loop3A_216 = tpu.vector_load %arg6[%parallel_loop3A_215] {strides = array<i32>} : memref<16384xi32, #tpu.memory_space<vmem>>, vector<16xi32>,
        %parallel_loop3A_217 = tpu.vector_load_idx %arg5[%parallel_loop3A_216] : memref<100000xf32, #tpu.memory_space<vmem>>[vector<16xi32>], vector<16xf32>,
        %parallel_loop3A_218 = arith.index_cast %parallel_loop3A_212 : i32 to index
        %parallel_loop3A_219 = tpu.vector_load %arg7[%parallel_loop3A_218] {strides = array<i32>} : memref<4096xf32, #tpu.memory_space<vmem>>, vector<16xf32>,
        tpu.vector_store %arg7[%parallel_loop3A_218], %parallel_loop3A_217 {strides = array<i32>} : memref<4096xf32, #tpu.memory_space<vmem>>, vector<16xf32>,
      } {sc.loop_unroll_factor = 8 : i64, sc.parallel_access}
      %dma_start3A_64 = arith.constant 0 : i32
      %dma_start3A_65 = tpu.memref_slice %arg4[%add3A_48, %dma_start3A_64] : memref<832x16384xf32, #tpu.memory_space<hbm>> -> memref<1x4096xf32, #tpu.memory_space<hbm>>
      %dma_start3A_66 = tpu.memref_squeeze %dma_start3A_65 : memref<1x4096xf32, #tpu.memory_space<hbm>> -> memref<4096xf32, #tpu.memory_space<hbm>>
      %dma_start3A_67 = arith.constant 0 : i32
      %dma_start3A_68 = tpu.memref_slice %arg4[%add3A_48, %dma_start3A_67] : memref<832x16384xf32, #tpu.memory_space<hbm>> -> memref<1x4096xf32, #tpu.memory_space<hbm>>
      %dma_start3A_69 = tpu.memref_squeeze %dma_start3A_68 : memref<1x4096xf32, #tpu.memory_space<hbm>> -> memref<4096xf32, #tpu.memory_space<hbm>>
      tpu.enqueue_dma source(%arg7 : memref<4096xf32, #tpu.memory_space<vmem>>) target(%dma_start3A_69 : memref<4096xf32, #tpu.memory_space<hbm>>) target_semaphore(%arg11 : memref<!tpu.dma_semaphore, #tpu.memory_space<semaphore_mem>>)
      %parallel_loop3A_70 = arith.constant 0 : i32
      %parallel_loop3A_71 = arith.constant 256 : i32
      %parallel_loop3A_72 = arith.constant 1 : i32
      scf.for %parallel_loop3A_210 = %parallel_loop3A_70 to %parallel_loop3A_71 step %parallel_loop3A_72  : i32 {
        %parallel_loop3A_211 = arith.constant 16 : i32
        %parallel_loop3A_212 = arith.muli %parallel_loop3A_210, %parallel_loop3A_211 : i32
        %parallel_loop3A_213 = arith.constant 4096 : i32
        %parallel_loop3A_214 = arith.addi %parallel_loop3A_213, %parallel_loop3A_212 : i32
        %parallel_loop3A_215 = arith.index_cast %parallel_loop3A_214 : i32 to index
        %parallel_loop3A_216 = tpu.vector_load %arg6[%parallel_loop3A_215] {strides = array<i32>} : memref<16384xi32, #tpu.memory_space<vmem>>, vector<16xi32>,
        %parallel_loop3A_217 = tpu.vector_load_idx %arg5[%parallel_loop3A_216] : memref<100000xf32, #tpu.memory_space<vmem>>[vector<16xi32>], vector<16xf32>,
        %parallel_loop3A_218 = arith.index_cast %parallel_loop3A_212 : i32 to index
        %parallel_loop3A_219 = tpu.vector_load %arg8[%parallel_loop3A_218] {strides = array<i32>} : memref<4096xf32, #tpu.memory_space<vmem>>, vector<16xf32>,
        tpu.vector_store %arg8[%parallel_loop3A_218], %parallel_loop3A_217 {strides = array<i32>} : memref<4096xf32, #tpu.memory_space<vmem>>, vector<16xf32>,
      } {sc.loop_unroll_factor = 8 : i64, sc.parallel_access}
      %dma_start3A_73 = arith.constant 4096 : i32
      %dma_start3A_74 = tpu.memref_slice %arg4[%add3A_48, %dma_start3A_73] : memref<832x16384xf32, #tpu.memory_space<hbm>> -> memref<1x4096xf32, #tpu.memory_space<hbm>>
      %dma_start3A_75 = tpu.memref_squeeze %dma_start3A_74 : memref<1x4096xf32, #tpu.memory_space<hbm>> -> memref<4096xf32, #tpu.memory_space<hbm>>
      %dma_start3A_76 = arith.constant 4096 : i32
      %dma_start3A_77 = tpu.memref_slice %arg4[%add3A_48, %dma_start3A_76] : memref<832x16384xf32, #tpu.memory_space<hbm>> -> memref<1x4096xf32, #tpu.memory_space<hbm>>
      %dma_start3A_78 = tpu.memref_squeeze %dma_start3A_77 : memref<1x4096xf32, #tpu.memory_space<hbm>> -> memref<4096xf32, #tpu.memory_space<hbm>>
      tpu.enqueue_dma source(%arg8 : memref<4096xf32, #tpu.memory_space<vmem>>) target(%dma_start3A_78 : memref<4096xf32, #tpu.memory_space<hbm>>) target_semaphore(%arg12 : memref<!tpu.dma_semaphore, #tpu.memory_space<semaphore_mem>>)
      %dma_wait3A_79 = arith.constant 0 : i32
      %dma_wait3A_80 = arith.constant 0 : i32
      %dma_wait3A_81 = tpu.memref_slice %arg4[%dma_wait3A_79, %dma_wait3A_80] : memref<832x16384xf32, #tpu.memory_space<hbm>> -> memref<1x4096xf32, #tpu.memory_space<hbm>>
      %dma_wait3A_82 = tpu.memref_squeeze %dma_wait3A_81 : memref<1x4096xf32, #tpu.memory_space<hbm>> -> memref<4096xf32, #tpu.memory_space<hbm>>
      %dma_wait3A_83 = arith.constant 0 : i32
      %dma_wait3A_84 = tpu.memref_slice %arg4[%dma_wait3A_79, %dma_wait3A_83] : memref<832x16384xf32, #tpu.memory_space<hbm>> -> memref<1x4096xf32, #tpu.memory_space<hbm>>
      %dma_wait3A_85 = tpu.memref_squeeze %dma_wait3A_84 : memref<1x4096xf32, #tpu.memory_space<hbm>> -> memref<4096xf32, #tpu.memory_space<hbm>>
      tpu.wait_dma2 semaphore(%arg11 : memref<!tpu.dma_semaphore, #tpu.memory_space<semaphore_mem>>) src(%arg7 : memref<4096xf32, #tpu.memory_space<vmem>>) dst(%dma_wait3A_85 : memref<4096xf32, #tpu.memory_space<hbm>>)
      %parallel_loop3A_86 = arith.constant 0 : i32
      %parallel_loop3A_87 = arith.constant 256 : i32
      %parallel_loop3A_88 = arith.constant 1 : i32
      scf.for %parallel_loop3A_210 = %parallel_loop3A_86 to %parallel_loop3A_87 step %parallel_loop3A_88  : i32 {
        %parallel_loop3A_211 = arith.constant 16 : i32
        %parallel_loop3A_212 = arith.muli %parallel_loop3A_210, %parallel_loop3A_211 : i32
        %parallel_loop3A_213 = arith.constant 8192 : i32
        %parallel_loop3A_214 = arith.addi %parallel_loop3A_213, %parallel_loop3A_212 : i32
        %parallel_loop3A_215 = arith.index_cast %parallel_loop3A_214 : i32 to index
        %parallel_loop3A_216 = tpu.vector_load %arg6[%parallel_loop3A_215] {strides = array<i32>} : memref<16384xi32, #tpu.memory_space<vmem>>, vector<16xi32>,
        %parallel_loop3A_217 = tpu.vector_load_idx %arg5[%parallel_loop3A_216] : memref<100000xf32, #tpu.memory_space<vmem>>[vector<16xi32>], vector<16xf32>,
        %parallel_loop3A_218 = arith.index_cast %parallel_loop3A_212 : i32 to index
        %parallel_loop3A_219 = tpu.vector_load %arg7[%parallel_loop3A_218] {strides = array<i32>} : memref<4096xf32, #tpu.memory_space<vmem>>, vector<16xf32>,
        tpu.vector_store %arg7[%parallel_loop3A_218], %parallel_loop3A_217 {strides = array<i32>} : memref<4096xf32, #tpu.memory_space<vmem>>, vector<16xf32>,
      } {sc.loop_unroll_factor = 8 : i64, sc.parallel_access}
      %dma_start3A_89 = arith.constant 8192 : i32
      %dma_start3A_90 = tpu.memref_slice %arg4[%add3A_48, %dma_start3A_89] : memref<832x16384xf32, #tpu.memory_space<hbm>> -> memref<1x4096xf32, #tpu.memory_space<hbm>>
      %dma_start3A_91 = tpu.memref_squeeze %dma_start3A_90 : memref<1x4096xf32, #tpu.memory_space<hbm>> -> memref<4096xf32, #tpu.memory_space<hbm>>
      %dma_start3A_92 = arith.constant 8192 : i32
      %dma_start3A_93 = tpu.memref_slice %arg4[%add3A_48, %dma_start3A_92] : memref<832x16384xf32, #tpu.memory_space<hbm>> -> memref<1x4096xf32, #tpu.memory_space<hbm>>
      %dma_start3A_94 = tpu.memref_squeeze %dma_start3A_93 : memref<1x4096xf32, #tpu.memory_space<hbm>> -> memref<4096xf32, #tpu.memory_space<hbm>>
      tpu.enqueue_dma source(%arg7 : memref<4096xf32, #tpu.memory_space<vmem>>) target(%dma_start3A_94 : memref<4096xf32, #tpu.memory_space<hbm>>) target_semaphore(%arg11 : memref<!tpu.dma_semaphore, #tpu.memory_space<semaphore_mem>>)
      %dma_wait3A_95 = arith.constant 0 : i32
      %dma_wait3A_96 = arith.constant 0 : i32
      %dma_wait3A_97 = tpu.memref_slice %arg4[%dma_wait3A_95, %dma_wait3A_96] : memref<832x16384xf32, #tpu.memory_space<hbm>> -> memref<1x4096xf32, #tpu.memory_space<hbm>>
      %dma_wait3A_98 = tpu.memref_squeeze %dma_wait3A_97 : memref<1x4096xf32, #tpu.memory_space<hbm>> -> memref<4096xf32, #tpu.memory_space<hbm>>
      %dma_wait3A_99 = arith.constant 0 : i32
      %dma_wait3A_100 = tpu.memref_slice %arg4[%dma_wait3A_95, %dma_wait3A_99] : memref<832x16384xf32, #tpu.memory_space<hbm>> -> memref<1x4096xf32, #tpu.memory_space<hbm>>
      %dma_wait3A_101 = tpu.memref_squeeze %dma_wait3A_100 : memref<1x4096xf32, #tpu.memory_space<hbm>> -> memref<4096xf32, #tpu.memory_space<hbm>>
      tpu.wait_dma2 semaphore(%arg12 : memref<!tpu.dma_semaphore, #tpu.memory_space<semaphore_mem>>) src(%arg8 : memref<4096xf32, #tpu.memory_space<vmem>>) dst(%dma_wait3A_101 : memref<4096xf32, #tpu.memory_space<hbm>>)
      %parallel_loop3A_102 = arith.constant 0 : i32
      %parallel_loop3A_103 = arith.constant 256 : i32
      %parallel_loop3A_104 = arith.constant 1 : i32
      scf.for %parallel_loop3A_210 = %parallel_loop3A_102 to %parallel_loop3A_103 step %parallel_loop3A_104  : i32 {
        %parallel_loop3A_211 = arith.constant 16 : i32
        %parallel_loop3A_212 = arith.muli %parallel_loop3A_210, %parallel_loop3A_211 : i32
        %parallel_loop3A_213 = arith.constant 12288 : i32
        %parallel_loop3A_214 = arith.addi %parallel_loop3A_213, %parallel_loop3A_212 : i32
        %parallel_loop3A_215 = arith.index_cast %parallel_loop3A_214 : i32 to index
        %parallel_loop3A_216 = tpu.vector_load %arg6[%parallel_loop3A_215] {strides = array<i32>} : memref<16384xi32, #tpu.memory_space<vmem>>, vector<16xi32>,
        %parallel_loop3A_217 = tpu.vector_load_idx %arg5[%parallel_loop3A_216] : memref<100000xf32, #tpu.memory_space<vmem>>[vector<16xi32>], vector<16xf32>,
        %parallel_loop3A_218 = arith.index_cast %parallel_loop3A_212 : i32 to index
        %parallel_loop3A_219 = tpu.vector_load %arg8[%parallel_loop3A_218] {strides = array<i32>} : memref<4096xf32, #tpu.memory_space<vmem>>, vector<16xf32>,
        tpu.vector_store %arg8[%parallel_loop3A_218], %parallel_loop3A_217 {strides = array<i32>} : memref<4096xf32, #tpu.memory_space<vmem>>, vector<16xf32>,
      } {sc.loop_unroll_factor = 8 : i64, sc.parallel_access}
      %dma_start3A_105 = arith.constant 12288 : i32
      %dma_start3A_106 = tpu.memref_slice %arg4[%add3A_48, %dma_start3A_105] : memref<832x16384xf32, #tpu.memory_space<hbm>> -> memref<1x4096xf32, #tpu.memory_space<hbm>>
      %dma_start3A_107 = tpu.memref_squeeze %dma_start3A_106 : memref<1x4096xf32, #tpu.memory_space<hbm>> -> memref<4096xf32, #tpu.memory_space<hbm>>
      %dma_start3A_108 = arith.constant 12288 : i32
      %dma_start3A_109 = tpu.memref_slice %arg4[%add3A_48, %dma_start3A_108] : memref<832x16384xf32, #tpu.memory_space<hbm>> -> memref<1x4096xf32, #tpu.memory_space<hbm>>
      %dma_start3A_110 = tpu.memref_squeeze %dma_start3A_109 : memref<1x4096xf32, #tpu.memory_space<hbm>> -> memref<4096xf32, #tpu.memory_space<hbm>>
      tpu.enqueue_dma source(%arg8 : memref<4096xf32, #tpu.memory_space<vmem>>) target(%dma_start3A_110 : memref<4096xf32, #tpu.memory_space<hbm>>) target_semaphore(%arg12 : memref<!tpu.dma_semaphore, #tpu.memory_space<semaphore_mem>>)
      %add3A_111 = arith.constant 1 : i32
      %add3A_112 = arith.addi %add3A_48, %add3A_111 : i32
      %dma_start3A_113 = arith.constant 0 : i32
      %dma_start3A_114 = tpu.memref_slice %arg2[%add3A_112, %dma_start3A_113] : memref<832x100000xf32, #tpu.memory_space<hbm>> -> memref<1x100000xf32, #tpu.memory_space<hbm>>
      %dma_start3A_115 = tpu.memref_squeeze %dma_start3A_114 : memref<1x100000xf32, #tpu.memory_space<hbm>> -> memref<100000xf32, #tpu.memory_space<hbm>>
      %dma_start3A_116 = arith.constant 0 : i32
      %dma_start3A_117 = tpu.memref_slice %arg2[%add3A_112, %dma_start3A_116] : memref<832x100000xf32, #tpu.memory_space<hbm>> -> memref<1x100000xf32, #tpu.memory_space<hbm>>
      %dma_start3A_118 = tpu.memref_squeeze %dma_start3A_117 : memref<1x100000xf32, #tpu.memory_space<hbm>> -> memref<100000xf32, #tpu.memory_space<hbm>>
      tpu.enqueue_dma source(%dma_start3A_118 : memref<100000xf32, #tpu.memory_space<hbm>>) target(%arg5 : memref<100000xf32, #tpu.memory_space<vmem>>) target_semaphore(%arg9 : memref<!tpu.dma_semaphore, #tpu.memory_space<semaphore_mem>>)
      %dma_wait3A_119 = arith.constant 0 : i32
      %dma_wait3A_120 = arith.constant 0 : i32
      %dma_wait3A_121 = tpu.memref_slice %arg4[%dma_wait3A_119, %dma_wait3A_120] : memref<832x16384xf32, #tpu.memory_space<hbm>> -> memref<1x4096xf32, #tpu.memory_space<hbm>>
      %dma_wait3A_122 = tpu.memref_squeeze %dma_wait3A_121 : memref<1x4096xf32, #tpu.memory_space<hbm>> -> memref<4096xf32, #tpu.memory_space<hbm>>
      %dma_wait3A_123 = arith.constant 0 : i32
      %dma_wait3A_124 = tpu.memref_slice %arg4[%dma_wait3A_119, %dma_wait3A_123] : memref<832x16384xf32, #tpu.memory_space<hbm>> -> memref<1x4096xf32, #tpu.memory_space<hbm>>
      %dma_wait3A_125 = tpu.memref_squeeze %dma_wait3A_124 : memref<1x4096xf32, #tpu.memory_space<hbm>> -> memref<4096xf32, #tpu.memory_space<hbm>>
      tpu.wait_dma2 semaphore(%arg11 : memref<!tpu.dma_semaphore, #tpu.memory_space<semaphore_mem>>) src(%arg7 : memref<4096xf32, #tpu.memory_space<vmem>>) dst(%dma_wait3A_125 : memref<4096xf32, #tpu.memory_space<hbm>>)
      %dma_wait3A_126 = arith.constant 0 : i32
      %dma_wait3A_127 = arith.constant 0 : i32
      %dma_wait3A_128 = tpu.memref_slice %arg4[%dma_wait3A_126, %dma_wait3A_127] : memref<832x16384xf32, #tpu.memory_space<hbm>> -> memref<1x4096xf32, #tpu.memory_space<hbm>>
      %dma_wait3A_129 = tpu.memref_squeeze %dma_wait3A_128 : memref<1x4096xf32, #tpu.memory_space<hbm>> -> memref<4096xf32, #tpu.memory_space<hbm>>
      %dma_wait3A_130 = arith.constant 0 : i32
      %dma_wait3A_131 = tpu.memref_slice %arg4[%dma_wait3A_126, %dma_wait3A_130] : memref<832x16384xf32, #tpu.memory_space<hbm>> -> memref<1x4096xf32, #tpu.memory_space<hbm>>
      %dma_wait3A_132 = tpu.memref_squeeze %dma_wait3A_131 : memref<1x4096xf32, #tpu.memory_space<hbm>> -> memref<4096xf32, #tpu.memory_space<hbm>>
      tpu.wait_dma2 semaphore(%arg12 : memref<!tpu.dma_semaphore, #tpu.memory_space<semaphore_mem>>) src(%arg8 : memref<4096xf32, #tpu.memory_space<vmem>>) dst(%dma_wait3A_132 : memref<4096xf32, #tpu.memory_space<hbm>>)
      %dma_wait3A_133 = arith.constant 0 : i32
      %dma_wait3A_134 = arith.constant 0 : i32
      %dma_wait3A_135 = tpu.memref_slice %arg2[%dma_wait3A_133, %dma_wait3A_134] : memref<832x100000xf32, #tpu.memory_space<hbm>> -> memref<1x100000xf32, #tpu.memory_space<hbm>>
      %dma_wait3A_136 = tpu.memref_squeeze %dma_wait3A_135 : memref<1x100000xf32, #tpu.memory_space<hbm>> -> memref<100000xf32, #tpu.memory_space<hbm>>
      %dma_wait3A_137 = arith.constant 0 : i32
      %dma_wait3A_138 = tpu.memref_slice %arg2[%dma_wait3A_133, %dma_wait3A_137] : memref<832x100000xf32, #tpu.memory_space<hbm>> -> memref<1x100000xf32, #tpu.memory_space<hbm>>
      %dma_wait3A_139 = tpu.memref_squeeze %dma_wait3A_138 : memref<1x100000xf32, #tpu.memory_space<hbm>> -> memref<100000xf32, #tpu.memory_space<hbm>>
      tpu.wait_dma2 semaphore(%arg9 : memref<!tpu.dma_semaphore, #tpu.memory_space<semaphore_mem>>) src(%dma_wait3A_139 : memref<100000xf32, #tpu.memory_space<hbm>>) dst(%arg5 : memref<100000xf32, #tpu.memory_space<vmem>>)
      %add3A_140 = arith.constant 1 : i32
      %add3A_141 = arith.addi %add3A_48, %add3A_140 : i32
      %parallel_loop3A_142 = arith.constant 0 : i32
      %parallel_loop3A_143 = arith.constant 256 : i32
      %parallel_loop3A_144 = arith.constant 1 : i32
      scf.for %parallel_loop3A_210 = %parallel_loop3A_142 to %parallel_loop3A_143 step %parallel_loop3A_144  : i32 {
        %parallel_loop3A_211 = arith.constant 16 : i32
        %parallel_loop3A_212 = arith.muli %parallel_loop3A_210, %parallel_loop3A_211 : i32
        %parallel_loop3A_213 = arith.constant 0 : i32
        %parallel_loop3A_214 = arith.addi %parallel_loop3A_213, %parallel_loop3A_212 : i32
        %parallel_loop3A_215 = arith.index_cast %parallel_loop3A_214 : i32 to index
        %parallel_loop3A_216 = tpu.vector_load %arg6[%parallel_loop3A_215] {strides = array<i32>} : memref<16384xi32, #tpu.memory_space<vmem>>, vector<16xi32>,
        %parallel_loop3A_217 = tpu.vector_load_idx %arg5[%parallel_loop3A_216] : memref<100000xf32, #tpu.memory_space<vmem>>[vector<16xi32>], vector<16xf32>,
        %parallel_loop3A_218 = arith.index_cast %parallel_loop3A_212 : i32 to index
        %parallel_loop3A_219 = tpu.vector_load %arg7[%parallel_loop3A_218] {strides = array<i32>} : memref<4096xf32, #tpu.memory_space<vmem>>, vector<16xf32>,
        tpu.vector_store %arg7[%parallel_loop3A_218], %parallel_loop3A_217 {strides = array<i32>} : memref<4096xf32, #tpu.memory_space<vmem>>, vector<16xf32>,
      } {sc.loop_unroll_factor = 8 : i64, sc.parallel_access}
      %dma_start3A_145 = arith.constant 0 : i32
      %dma_start3A_146 = tpu.memref_slice %arg4[%add3A_141, %dma_start3A_145] : memref<832x16384xf32, #tpu.memory_space<hbm>> -> memref<1x4096xf32, #tpu.memory_space<hbm>>
      %dma_start3A_147 = tpu.memref_squeeze %dma_start3A_146 : memref<1x4096xf32, #tpu.memory_space<hbm>> -> memref<4096xf32, #tpu.memory_space<hbm>>
      %dma_start3A_148 = arith.constant 0 : i32
      %dma_start3A_149 = tpu.memref_slice %arg4[%add3A_141, %dma_start3A_148] : memref<832x16384xf32, #tpu.memory_space<hbm>> -> memref<1x4096xf32, #tpu.memory_space<hbm>>
      %dma_start3A_150 = tpu.memref_squeeze %dma_start3A_149 : memref<1x4096xf32, #tpu.memory_space<hbm>> -> memref<4096xf32, #tpu.memory_space<hbm>>
      tpu.enqueue_dma source(%arg7 : memref<4096xf32, #tpu.memory_space<vmem>>) target(%dma_start3A_150 : memref<4096xf32, #tpu.memory_space<hbm>>) target_semaphore(%arg11 : memref<!tpu.dma_semaphore, #tpu.memory_space<semaphore_mem>>)
      %parallel_loop3A_151 = arith.constant 0 : i32
      %parallel_loop3A_152 = arith.constant 256 : i32
      %parallel_loop3A_153 = arith.constant 1 : i32
      scf.for %parallel_loop3A_210 = %parallel_loop3A_151 to %parallel_loop3A_152 step %parallel_loop3A_153  : i32 {
        %parallel_loop3A_211 = arith.constant 16 : i32
        %parallel_loop3A_212 = arith.muli %parallel_loop3A_210, %parallel_loop3A_211 : i32
        %parallel_loop3A_213 = arith.constant 4096 : i32
        %parallel_loop3A_214 = arith.addi %parallel_loop3A_213, %parallel_loop3A_212 : i32
        %parallel_loop3A_215 = arith.index_cast %parallel_loop3A_214 : i32 to index
        %parallel_loop3A_216 = tpu.vector_load %arg6[%parallel_loop3A_215] {strides = array<i32>} : memref<16384xi32, #tpu.memory_space<vmem>>, vector<16xi32>,
        %parallel_loop3A_217 = tpu.vector_load_idx %arg5[%parallel_loop3A_216] : memref<100000xf32, #tpu.memory_space<vmem>>[vector<16xi32>], vector<16xf32>,
        %parallel_loop3A_218 = arith.index_cast %parallel_loop3A_212 : i32 to index
        %parallel_loop3A_219 = tpu.vector_load %arg8[%parallel_loop3A_218] {strides = array<i32>} : memref<4096xf32, #tpu.memory_space<vmem>>, vector<16xf32>,
        tpu.vector_store %arg8[%parallel_loop3A_218], %parallel_loop3A_217 {strides = array<i32>} : memref<4096xf32, #tpu.memory_space<vmem>>, vector<16xf32>,
      } {sc.loop_unroll_factor = 8 : i64, sc.parallel_access}
      %dma_start3A_154 = arith.constant 4096 : i32
      %dma_start3A_155 = tpu.memref_slice %arg4[%add3A_141, %dma_start3A_154] : memref<832x16384xf32, #tpu.memory_space<hbm>> -> memref<1x4096xf32, #tpu.memory_space<hbm>>
      %dma_start3A_156 = tpu.memref_squeeze %dma_start3A_155 : memref<1x4096xf32, #tpu.memory_space<hbm>> -> memref<4096xf32, #tpu.memory_space<hbm>>
      %dma_start3A_157 = arith.constant 4096 : i32
      %dma_start3A_158 = tpu.memref_slice %arg4[%add3A_141, %dma_start3A_157] : memref<832x16384xf32, #tpu.memory_space<hbm>> -> memref<1x4096xf32, #tpu.memory_space<hbm>>
      %dma_start3A_159 = tpu.memref_squeeze %dma_start3A_158 : memref<1x4096xf32, #tpu.memory_space<hbm>> -> memref<4096xf32, #tpu.memory_space<hbm>>
      tpu.enqueue_dma source(%arg8 : memref<4096xf32, #tpu.memory_space<vmem>>) target(%dma_start3A_159 : memref<4096xf32, #tpu.memory_space<hbm>>) target_semaphore(%arg12 : memref<!tpu.dma_semaphore, #tpu.memory_space<semaphore_mem>>)
      %dma_wait3A_160 = arith.constant 0 : i32
      %dma_wait3A_161 = arith.constant 0 : i32
      %dma_wait3A_162 = tpu.memref_slice %arg4[%dma_wait3A_160, %dma_wait3A_161] : memref<832x16384xf32, #tpu.memory_space<hbm>> -> memref<1x4096xf32, #tpu.memory_space<hbm>>
      %dma_wait3A_163 = tpu.memref_squeeze %dma_wait3A_162 : memref<1x4096xf32, #tpu.memory_space<hbm>> -> memref<4096xf32, #tpu.memory_space<hbm>>
      %dma_wait3A_164 = arith.constant 0 : i32
      %dma_wait3A_165 = tpu.memref_slice %arg4[%dma_wait3A_160, %dma_wait3A_164] : memref<832x16384xf32, #tpu.memory_space<hbm>> -> memref<1x4096xf32, #tpu.memory_space<hbm>>
      %dma_wait3A_166 = tpu.memref_squeeze %dma_wait3A_165 : memref<1x4096xf32, #tpu.memory_space<hbm>> -> memref<4096xf32, #tpu.memory_space<hbm>>
      tpu.wait_dma2 semaphore(%arg11 : memref<!tpu.dma_semaphore, #tpu.memory_space<semaphore_mem>>) src(%arg7 : memref<4096xf32, #tpu.memory_space<vmem>>) dst(%dma_wait3A_166 : memref<4096xf32, #tpu.memory_space<hbm>>)
      %parallel_loop3A_167 = arith.constant 0 : i32
      %parallel_loop3A_168 = arith.constant 256 : i32
      %parallel_loop3A_169 = arith.constant 1 : i32
      scf.for %parallel_loop3A_210 = %parallel_loop3A_167 to %parallel_loop3A_168 step %parallel_loop3A_169  : i32 {
        %parallel_loop3A_211 = arith.constant 16 : i32
        %parallel_loop3A_212 = arith.muli %parallel_loop3A_210, %parallel_loop3A_211 : i32
        %parallel_loop3A_213 = arith.constant 8192 : i32
        %parallel_loop3A_214 = arith.addi %parallel_loop3A_213, %parallel_loop3A_212 : i32
        %parallel_loop3A_215 = arith.index_cast %parallel_loop3A_214 : i32 to index
        %parallel_loop3A_216 = tpu.vector_load %arg6[%parallel_loop3A_215] {strides = array<i32>} : memref<16384xi32, #tpu.memory_space<vmem>>, vector<16xi32>,
        %parallel_loop3A_217 = tpu.vector_load_idx %arg5[%parallel_loop3A_216] : memref<100000xf32, #tpu.memory_space<vmem>>[vector<16xi32>], vector<16xf32>,
        %parallel_loop3A_218 = arith.index_cast %parallel_loop3A_212 : i32 to index
        %parallel_loop3A_219 = tpu.vector_load %arg7[%parallel_loop3A_218] {strides = array<i32>} : memref<4096xf32, #tpu.memory_space<vmem>>, vector<16xf32>,
        tpu.vector_store %arg7[%parallel_loop3A_218], %parallel_loop3A_217 {strides = array<i32>} : memref<4096xf32, #tpu.memory_space<vmem>>, vector<16xf32>,
      } {sc.loop_unroll_factor = 8 : i64, sc.parallel_access}
      %dma_start3A_170 = arith.constant 8192 : i32
      %dma_start3A_171 = tpu.memref_slice %arg4[%add3A_141, %dma_start3A_170] : memref<832x16384xf32, #tpu.memory_space<hbm>> -> memref<1x4096xf32, #tpu.memory_space<hbm>>
      %dma_start3A_172 = tpu.memref_squeeze %dma_start3A_171 : memref<1x4096xf32, #tpu.memory_space<hbm>> -> memref<4096xf32, #tpu.memory_space<hbm>>
      %dma_start3A_173 = arith.constant 8192 : i32
      %dma_start3A_174 = tpu.memref_slice %arg4[%add3A_141, %dma_start3A_173] : memref<832x16384xf32, #tpu.memory_space<hbm>> -> memref<1x4096xf32, #tpu.memory_space<hbm>>
      %dma_start3A_175 = tpu.memref_squeeze %dma_start3A_174 : memref<1x4096xf32, #tpu.memory_space<hbm>> -> memref<4096xf32, #tpu.memory_space<hbm>>
      tpu.enqueue_dma source(%arg7 : memref<4096xf32, #tpu.memory_space<vmem>>) target(%dma_start3A_175 : memref<4096xf32, #tpu.memory_space<hbm>>) target_semaphore(%arg11 : memref<!tpu.dma_semaphore, #tpu.memory_space<semaphore_mem>>)
      %dma_wait3A_176 = arith.constant 0 : i32
      %dma_wait3A_177 = arith.constant 0 : i32
      %dma_wait3A_178 = tpu.memref_slice %arg4[%dma_wait3A_176, %dma_wait3A_177] : memref<832x16384xf32, #tpu.memory_space<hbm>> -> memref<1x4096xf32, #tpu.memory_space<hbm>>
      %dma_wait3A_179 = tpu.memref_squeeze %dma_wait3A_178 : memref<1x4096xf32, #tpu.memory_space<hbm>> -> memref<4096xf32, #tpu.memory_space<hbm>>
      %dma_wait3A_180 = arith.constant 0 : i32
      %dma_wait3A_181 = tpu.memref_slice %arg4[%dma_wait3A_176, %dma_wait3A_180] : memref<832x16384xf32, #tpu.memory_space<hbm>> -> memref<1x4096xf32, #tpu.memory_space<hbm>>
      %dma_wait3A_182 = tpu.memref_squeeze %dma_wait3A_181 : memref<1x4096xf32, #tpu.memory_space<hbm>> -> memref<4096xf32, #tpu.memory_space<hbm>>
      tpu.wait_dma2 semaphore(%arg12 : memref<!tpu.dma_semaphore, #tpu.memory_space<semaphore_mem>>) src(%arg8 : memref<4096xf32, #tpu.memory_space<vmem>>) dst(%dma_wait3A_182 : memref<4096xf32, #tpu.memory_space<hbm>>)
      %parallel_loop3A_183 = arith.constant 0 : i32
      %parallel_loop3A_184 = arith.constant 256 : i32
      %parallel_loop3A_185 = arith.constant 1 : i32
      scf.for %parallel_loop3A_210 = %parallel_loop3A_183 to %parallel_loop3A_184 step %parallel_loop3A_185  : i32 {
        %parallel_loop3A_211 = arith.constant 16 : i32
        %parallel_loop3A_212 = arith.muli %parallel_loop3A_210, %parallel_loop3A_211 : i32
        %parallel_loop3A_213 = arith.constant 12288 : i32
        %parallel_loop3A_214 = arith.addi %parallel_loop3A_213, %parallel_loop3A_212 : i32
        %parallel_loop3A_215 = arith.index_cast %parallel_loop3A_214 : i32 to index
        %parallel_loop3A_216 = tpu.vector_load %arg6[%parallel_loop3A_215] {strides = array<i32>} : memref<16384xi32, #tpu.memory_space<vmem>>, vector<16xi32>,
        %parallel_loop3A_217 = tpu.vector_load_idx %arg5[%parallel_loop3A_216] : memref<100000xf32, #tpu.memory_space<vmem>>[vector<16xi32>], vector<16xf32>,
        %parallel_loop3A_218 = arith.index_cast %parallel_loop3A_212 : i32 to index
        %parallel_loop3A_219 = tpu.vector_load %arg8[%parallel_loop3A_218] {strides = array<i32>} : memref<4096xf32, #tpu.memory_space<vmem>>, vector<16xf32>,
        tpu.vector_store %arg8[%parallel_loop3A_218], %parallel_loop3A_217 {strides = array<i32>} : memref<4096xf32, #tpu.memory_space<vmem>>, vector<16xf32>,
      } {sc.loop_unroll_factor = 8 : i64, sc.parallel_access}
      %dma_start3A_186 = arith.constant 12288 : i32
      %dma_start3A_187 = tpu.memref_slice %arg4[%add3A_141, %dma_start3A_186] : memref<832x16384xf32, #tpu.memory_space<hbm>> -> memref<1x4096xf32, #tpu.memory_space<hbm>>
      %dma_start3A_188 = tpu.memref_squeeze %dma_start3A_187 : memref<1x4096xf32, #tpu.memory_space<hbm>> -> memref<4096xf32, #tpu.memory_space<hbm>>
      %dma_start3A_189 = arith.constant 12288 : i32
      %dma_start3A_190 = tpu.memref_slice %arg4[%add3A_141, %dma_start3A_189] : memref<832x16384xf32, #tpu.memory_space<hbm>> -> memref<1x4096xf32, #tpu.memory_space<hbm>>
      %dma_start3A_191 = tpu.memref_squeeze %dma_start3A_190 : memref<1x4096xf32, #tpu.memory_space<hbm>> -> memref<4096xf32, #tpu.memory_space<hbm>>
      tpu.enqueue_dma source(%arg8 : memref<4096xf32, #tpu.memory_space<vmem>>) target(%dma_start3A_191 : memref<4096xf32, #tpu.memory_space<hbm>>) target_semaphore(%arg12 : memref<!tpu.dma_semaphore, #tpu.memory_space<semaphore_mem>>)
      %add3A_192 = arith.constant 1 : i32
      %add3A_193 = arith.addi %scan3A_40, %add3A_192 : i32
      %lt3A = arith.constant 13 : i32
      %lt3A_194 = arith.cmpi slt, %add3A_193, %lt3A : i32
      %convert_element_type3A = arith.extui %lt3A_194 : i1 to i32
      %cond3A = arith.constant 0 : i32
      %cond3A_195 = arith.cmpi ne, %convert_element_type3A, %cond3A : i32
      scf.if %cond3A_195 {
        %add3A_210 = arith.constant 1 : i32
        %add3A_211 = arith.addi %scan3A_40, %add3A_210 : i32
        %mul3A_212 = arith.constant 2 : i32
        %mul3A_213 = arith.muli %mul3A_212, %add3A_211 : i32
        %add3A_214 = arith.addi %select_n3A, %mul3A_213 : i32
        %mul3A_215 = arith.constant 32 : i32
        %mul3A_216 = arith.muli %add3A_214, %mul3A_215 : i32
        %mul3A_217 = arith.constant 2 : i32
        %mul3A_218 = arith.muli %mul3A_217, %rem3A_1 : i32
        %add3A_219 = arith.addi %mul3A_216, %mul3A_218 : i32
        %dma_start3A_220 = arith.constant 0 : i32
        %dma_start3A_221 = tpu.memref_slice %arg2[%add3A_219, %dma_start3A_220] : memref<832x100000xf32, #tpu.memory_space<hbm>> -> memref<1x100000xf32, #tpu.memory_space<hbm>>
        %dma_start3A_222 = tpu.memref_squeeze %dma_start3A_221 : memref<1x100000xf32, #tpu.memory_space<hbm>> -> memref<100000xf32, #tpu.memory_space<hbm>>
        %dma_start3A_223 = arith.constant 0 : i32
        %dma_start3A_224 = tpu.memref_slice %arg2[%add3A_219, %dma_start3A_223] : memref<832x100000xf32, #tpu.memory_space<hbm>> -> memref<1x100000xf32, #tpu.memory_space<hbm>>
        %dma_start3A_225 = tpu.memref_squeeze %dma_start3A_224 : memref<1x100000xf32, #tpu.memory_space<hbm>> -> memref<100000xf32, #tpu.memory_space<hbm>>
        tpu.enqueue_dma source(%dma_start3A_225 : memref<100000xf32, #tpu.memory_space<hbm>>) target(%arg5 : memref<100000xf32, #tpu.memory_space<vmem>>) target_semaphore(%arg9 : memref<!tpu.dma_semaphore, #tpu.memory_space<semaphore_mem>>)
        %add3A_226 = arith.constant 1 : i32
        %add3A_227 = arith.addi %scan3A_40, %add3A_226 : i32
        %mul3A_228 = arith.constant 2 : i32
        %mul3A_229 = arith.muli %mul3A_228, %add3A_227 : i32
        %add3A_230 = arith.addi %select_n3A, %mul3A_229 : i32
        %dma_start3A_231 = arith.constant 0 : i32
        %dma_start3A_232 = tpu.memref_slice %arg3[%add3A_230, %dma_start3A_231] : memref<26x16384xi32, #tpu.memory_space<hbm>> -> memref<1x16384xi32, #tpu.memory_space<hbm>>
        %dma_start3A_233 = tpu.memref_squeeze %dma_start3A_232 : memref<1x16384xi32, #tpu.memory_space<hbm>> -> memref<16384xi32, #tpu.memory_space<hbm>>
        %dma_start3A_234 = arith.constant 0 : i32
        %dma_start3A_235 = tpu.memref_slice %arg3[%add3A_230, %dma_start3A_234] : memref<26x16384xi32, #tpu.memory_space<hbm>> -> memref<1x16384xi32, #tpu.memory_space<hbm>>
        %dma_start3A_236 = tpu.memref_squeeze %dma_start3A_235 : memref<1x16384xi32, #tpu.memory_space<hbm>> -> memref<16384xi32, #tpu.memory_space<hbm>>
        tpu.enqueue_dma source(%dma_start3A_236 : memref<16384xi32, #tpu.memory_space<hbm>>) target(%arg6 : memref<16384xi32, #tpu.memory_space<vmem>>) target_semaphore(%arg10 : memref<!tpu.dma_semaphore, #tpu.memory_space<semaphore_mem>>)
      } else {
      }
      %dma_wait3A_196 = arith.constant 0 : i32
      %dma_wait3A_197 = arith.constant 0 : i32
      %dma_wait3A_198 = tpu.memref_slice %arg4[%dma_wait3A_196, %dma_wait3A_197] : memref<832x16384xf32, #tpu.memory_space<hbm>> -> memref<1x4096xf32, #tpu.memory_space<hbm>>
      %dma_wait3A_199 = tpu.memref_squeeze %dma_wait3A_198 : memref<1x4096xf32, #tpu.memory_space<hbm>> -> memref<4096xf32, #tpu.memory_space<hbm>>
      %dma_wait3A_200 = arith.constant 0 : i32
      %dma_wait3A_201 = tpu.memref_slice %arg4[%dma_wait3A_196, %dma_wait3A_200] : memref<832x16384xf32, #tpu.memory_space<hbm>> -> memref<1x4096xf32, #tpu.memory_space<hbm>>
      %dma_wait3A_202 = tpu.memref_squeeze %dma_wait3A_201 : memref<1x4096xf32, #tpu.memory_space<hbm>> -> memref<4096xf32, #tpu.memory_space<hbm>>
      tpu.wait_dma2 semaphore(%arg11 : memref<!tpu.dma_semaphore, #tpu.memory_space<semaphore_mem>>) src(%arg7 : memref<4096xf32, #tpu.memory_space<vmem>>) dst(%dma_wait3A_202 : memref<4096xf32, #tpu.memory_space<hbm>>)
      %dma_wait3A_203 = arith.constant 0 : i32
      %dma_wait3A_204 = arith.constant 0 : i32
      %dma_wait3A_205 = tpu.memref_slice %arg4[%dma_wait3A_203, %dma_wait3A_204] : memref<832x16384xf32, #tpu.memory_space<hbm>> -> memref<1x4096xf32, #tpu.memory_space<hbm>>
      %dma_wait3A_206 = tpu.memref_squeeze %dma_wait3A_205 : memref<1x4096xf32, #tpu.memory_space<hbm>> -> memref<4096xf32, #tpu.memory_space<hbm>>
      %dma_wait3A_207 = arith.constant 0 : i32
      %dma_wait3A_208 = tpu.memref_slice %arg4[%dma_wait3A_203, %dma_wait3A_207] : memref<832x16384xf32, #tpu.memory_space<hbm>> -> memref<1x4096xf32, #tpu.memory_space<hbm>>
      %dma_wait3A_209 = tpu.memref_squeeze %dma_wait3A_208 : memref<1x4096xf32, #tpu.memory_space<hbm>> -> memref<4096xf32, #tpu.memory_space<hbm>>
      tpu.wait_dma2 semaphore(%arg12 : memref<!tpu.dma_semaphore, #tpu.memory_space<semaphore_mem>>) src(%arg8 : memref<4096xf32, #tpu.memory_space<vmem>>) dst(%dma_wait3A_209 : memref<4096xf32, #tpu.memory_space<hbm>>)
    }
    %scan3A_39 = arith.constant 13 : i32
    return
  }
}

</mosaic_0001>

<sc_bundles>
// kernel: kernel.3.cloned.1.call-start
scs
__scs_entry_jumppad:
0x0: {  	(pc) =	sbr.rel $0x88, $3  }
0x1: {  	(tag) =	ssettag $0x0;
	lr =	simm.s32 $0x1  }
0x2: {  	[smem:$0x3F9F] =	sst lr;
	_ =	strace $0xD0000000  }
0x3: {  	_ = 	snop  }
0x4: {  	_ = 	snop  }
0x5: {  	_ = 	snop  }
0x6: {  	_ = 	snop  }
0x7: {  	_ = 	snop  }
__scs_overlays_trampoline_lowered:
0x8: {  	[smem:$0x3FAE] =	sst s0  }
0x9: {  	[smem:$0x3FAF] =	sst s1  }
0xa: {  	[smem:$0x3FB0] =	sst s2  }
0xb: {  	[smem:$0x3FB1] =	sst s3  }
0xc: {  	[smem:$0x3FB2] =	sst s4  }
0xd: {  	[smem:$0x3FB3] =	sst s5  }
0xe: {  	[smem:$0x3FB4] =	sst s6  }
0xf: {  	[smem:$0x3FB5] =	sst s7  }
0x10: {  	[smem:$0x3FB6] =	sst s8  }
0x11: {  	[smem:$0x3FB7] =	sst s9;
	s0 =	simm.s32 @!p0 $0x0  }
0x12: {  	s1 =	sld [smem:$0x3F9D];
	s0 =	simm.s32 @p0 $0x1  }
0x13: {  	[smem:$0x3FB8] =	sst s0;
	s0 =	simm.s32 @!p1 $0x0  }
0x14: {  	s2 =	sld [smem:$0x3F9C];
	s0 =	simm.s32 @p1 $0x1  }
0x15: {  	[smem:$0x3FB9] =	sst s0;
	s0 =	simm.s32 @!p2 $0x0  }
0x16: {  	s3 =	sld [smem:$0x3FDB];
	s0 =	simm.s32 @p2 $0x1  }
0x17: {  	s4 =	simm.s32 $0x1BF5;
	[smem:$0x3FBB] =	sst s0  }
0x18: {  	s0 =	sld [smem:$0x3F9E];
	_ =	swait.ge [sflag:s4], $0x0  }
0x19: {  	s7 =	sld [smem:$0x3F9F]  }
0x1a: {  	s8 =	sadd.s32 $0xFFFFE003, lr  }
0x1b: {  	s9 =	sadd.s32 $0xFFFFFEF7, lr;
	s5 =	simm.s32 $0xFFFFFFFF;
	p2 =	slt.u32 s8, $0xFFFFF086  }
0x1c: {  	p1 =	slt.u32 s9, $0xF7A;
	s5 =	simm.s32 @!p2 $0x0  }
0x1d: {  	s5 =	simm.s32 @p1 $0x1;
	p0 =	seq.s32 s7, s2  }
0x1e: {  	s7 =	smul.u32 @!p0 $0xF7A, s2;
	p2 =	seq.s32 @!p0 s5, $0x0  }
0x1f: {  	s9 =	smul.u32 $0xF7A, s1;
	s8 =	simm.s32 @!p0 $0x1BF5;
	p2 =	por !p2, p0  }
0x20: {  	[sflag:s8] =	ssyncset.s32 @!p0 $0xFFFFF086;
	s6 =	sadd.s32 @!p0 s3, s7;
	s7 =	simm.s32 @!p0 $0x108  }
0x21: {  	s3 =	sadd.s32 s3, s9;
	s6 =	sadd.s32 @!p0 $0x88, s6;
	s7 =	simm.s32 @p2 $0x1082  }
0x22: {  	[simem:s7], [sflag:s8] =	dma.local @!p0 [hbm:s6], $0xF7A  }
0x23: {  	s9 =	sor.u32 $0xD0000000, s2;
	s6 =	simm.s32 $0x108;
	_ =	swait.ge @!p0 [sflag:s8], $0x0  }
0x24: {  	s3 =	sadd.s32 $0x88, s3;
	s6 =	simm.s32 @!p1 $0x1082;
	[sflag:s4] =	ssyncset.s32 $0xFFFFF086  }
0x25: {  	[simem:s6], [sflag:s4] =	dma.local [hbm:s3], $0xF7A  }
0x26: {  	[smem:$0x3F9F] =	sst s1;
	(tag) =	ssettag s2;
	_ =	strace s9  }
0x27: {  	s1 =	sld [smem:$0x3FAF]  }
0x28: {  	s2 =	sld [smem:$0x3FB0]  }
0x29: {  	s4 =	sld [smem:$0x3FB2]  }
0x2a: {  	p0 =	seq.s32 s5, $0x0;
	s5 =	sld [smem:$0x3FB3]  }
0x2b: {  	s6 =	sld [smem:$0x3FB4]  }
0x2c: {  	s7 =	sld [smem:$0x3FB5]  }
0x2d: {  	s3 =	simm.s32 $0x108;
	s8 =	sld [smem:$0x3FB6]  }
0x2e: {  	s3 =	simm.s32 @!p0 $0x1082;
	s9 =	sld [smem:$0x3FB7]  }
0x2f: {  	lr =	sadd.s32 s0, s3;
	s0 =	sld [smem:$0x3FAE]  }
0x30: {  	s3 =	sld [smem:$0x3FB1]  }
0x31: {  	[smem:$0x3FBA] =	sst s10  }
0x32: {  	s10 =	sld [smem:$0x3FB8];
	_ =	sdelay $0x3  }
0x33: {  	p0 =	seq.s32 s10, $0x1;
	s10 =	sld [smem:$0x3FBA];
	_ =	sdelay $0x3  }
0x34: {  	[smem:$0x3FBA] =	sst s10  }
0x35: {  	s10 =	sld [smem:$0x3FB9];
	_ =	sdelay $0x3  }
0x36: {  	p1 =	seq.s32 s10, $0x1;
	s10 =	sld [smem:$0x3FBA];
	_ =	sdelay $0x3  }
0x37: {  	[smem:$0x3FBA] =	sst s10  }
0x38: {  	s10 =	sld [smem:$0x3FBB]  }
0x39: {  	_ = 	snop;
	(pc) =	sbr.ind lr, $3  }
0x3a: {  	_ = 	snop  }
0x3b: {  	_ = 	snop  }
0x3c: {  	p2 =	seq.s32 s10, $0x1;
	s10 =	sld [smem:$0x3FBA]  }
0x3d: {  	_ =	shalt  }
0x3e: {  	_ =	shalt  }
0x3f: {  	_ =	shalt  }
0x40: {  	_ =	shalt  }
0x41: {  	_ =	shalt  }
0x42: {  	_ =	shalt  }
0x43: {  	_ =	shalt  }
0x44: {  	_ =	shalt  }
0x45: {  	_ =	shalt  }
0x46: {  	_ =	shalt  }
0x47: {  	_ =	shalt  }
0x48: {  	_ =	shalt  }
0x49: {  	_ =	shalt  }
0x4a: {  	_ =	shalt  }
0x4b: {  	_ =	shalt  }
0x4c: {  	_ =	shalt  }
0x4d: {  	_ =	shalt  }
0x4e: {  	_ =	shalt  }
0x4f: {  	_ =	shalt  }
0x50: {  	_ =	shalt  }
0x51: {  	_ =	shalt  }
0x52: {  	_ =	shalt  }
0x53: {  	_ =	shalt  }
0x54: {  	_ =	shalt  }
0x55: {  	_ =	shalt  }
0x56: {  	_ =	shalt  }
0x57: {  	_ =	shalt  }
0x58: {  	_ =	shalt  }
0x59: {  	_ =	shalt  }
0x5a: {  	_ =	shalt  }
0x5b: {  	_ =	shalt  }
0x5c: {  	_ =	shalt  }
0x5d: {  	_ =	shalt  }
0x5e: {  	_ =	shalt  }
0x5f: {  	_ =	shalt  }
0x60: {  	_ =	shalt  }
0x61: {  	_ =	shalt  }
0x62: {  	_ =	shalt  }
0x63: {  	_ =	shalt  }
0x64: {  	_ =	shalt  }
0x65: {  	_ =	shalt  }
0x66: {  	_ =	shalt  }
0x67: {  	_ =	shalt  }
0x68: {  	_ =	shalt  }
0x69: {  	_ =	shalt  }
0x6a: {  	_ =	shalt  }
0x6b: {  	_ =	shalt  }
0x6c: {  	_ =	shalt  }
0x6d: {  	_ =	shalt  }
0x6e: {  	_ =	shalt  }
0x6f: {  	_ =	shalt  }
0x70: {  	_ =	shalt  }
0x71: {  	_ =	shalt  }
0x72: {  	_ =	shalt  }
0x73: {  	_ =	shalt  }
0x74: {  	_ =	shalt  }
0x75: {  	_ =	shalt  }
0x76: {  	_ =	shalt  }
0x77: {  	_ =	shalt  }
0x78: {  	_ =	shalt  }
0x79: {  	_ =	shalt  }
0x7a: {  	_ =	shalt  }
0x7b: {  	_ =	shalt  }
0x7c: {  	_ =	shalt  }
0x7d: {  	_ =	shalt  }
0x7e: {  	_ =	shalt  }
0x7f: {  	_ =	shalt  }
0x80: {  	_ =	shalt  }
0x81: {  	_ =	shalt  }
0x82: {  	_ =	shalt  }
0x83: {  	_ =	shalt  }
0x84: {  	_ =	shalt  }
0x85: {  	_ =	shalt  }
0x86: {  	_ =	shalt  }
0x87: {  	_ =	shalt  }
.Lfunc_end0:
.L_simem_size_0:
called_computation_lowered:
.L_overlay_start_0:
0x88: {  	s2 =	sld [smem:$0x3FD9]  }
0x89: {  	s3 =	sld [smem:$0x3FFE];
	_ =	sdelay $0x1  }
0x8a: {  	s1 =	srdreg.scid  }
0x8b: {  	s0 =	sand.u32 $0x1, s1  }
0x8c: {  	s18 =	sshll.u32 s0, $0xA;
	s2 =	sadd.s32 s3, s2  }
0x8d: {  	s2 =	sadd.s32 s2, s18  }
0x8e: {  	[smem:$0x3FC6] =	sst s2  }
0x8f: {  	_ = 	snop  }
0x90: {  	s2 =	sld [smem:$0x3FC9]  }
0x91: {  	s19 =	sld [smem:$0x3FC8]  }
0x92: {  	s4 =	sld [smem:$0x3FD0];
	(tm) =	ssettm $0x1  }
0x93: {  	s5 =	sld [smem:$0x3FFB];
	_ =	sdelay $0x3  }
0x94: {  	_ =	strace s5  }
0x95: {  	s5 =	sld [smem:$0x3FFC];
	_ =	sdelay $0x3  }
0x96: {  	_ =	strace s5  }
0x97: {  	s5 =	sld [smem:$0x3FFD];
	_ =	sdelay $0x3  }
0x98: {  	_ =	strace s5  }
0x99: {  	_ =	strace $0x8FFFFFFF  }
0x9a: {  	s20 =	sld [smem:$0x3FDB];
	_ =	sdelay $0x1  }
0x9b: {  	s6 =	simm.s32 $_scs_section_size  }
0x9c: {  	s7 =	simm.s32 $_size__tile_overlayer_lowered;
	s8 =	simm.s32 $_tile_overlayer_lowered  }
0x9d: {  	s23 =	simm.s32 $0x1BFF;
	s22 =	sshll.u32 s8, $0x1;
	s5 =	sadd.s32 s6, s20  }
0x9e: {  	s9 =	simm.s32 $0x0;
	s21 =	sshll.u32 s7, $0x1;
	s7 =	sadd.s32 s22, s5  }
0x9f: {  	[timem:s9], [sflag:s23] =	dma.local [hbm:s7], s21  }
0xa0: {  	_ =	swait.ge [sflag:s23], s21  }
0xa1: {  	s6 =	ssub.s32 $0x0, s21;
	[sflag:s23] =	ssyncset.done $0x0  }
0xa2: {  	[sflag:s23] =	ssyncadd.s32 s6;
	_ =	sdelay $0x1  }
0xa3: {  	s24 =	simm.s32 $0x1B8B  }
0xa4: {  	_ =	swait.ge [sflag:s24], $0x1  }
0xa5: {  	[sflag:s24] =	ssyncset.done $0x0  }
0xa6: {  	s25 =	simm.s32 $0x1B8E;
	[sflag:s24] =	ssyncadd.s32 $0xFFFFFFFF  }
0xa7: {  	s26 =	simm.s32 $execute0_lowered;
	[smem:$0x3FD2] =	sst s25  }
0xa8: {  	s6 =	sshll.u32 s26, $0x1;
	_ =	strace $0x80000046;
	[dreg:$0x1] =	wrdreg $0xFFFFFFFF  }
0xa9: {  	s28 =	simm.s32 $_size_execute0_lowered;
	s5 =	sadd.s32 s5, s6;
	[dreg:$0x0] =	wrdreg $0x0  }
0xaa: {  	s6 =	sshll.u32 s28, $0x1;
	[dreg:$0x2] =	wrdreg s5  }
0xab: {  	[dreg:$0x3] =	wrdreg s6  }
0xac: {  	[dreg:$0x4] =	wrdreg $0xC0  }
0xad: {  	_ =	task [dreg:s9], $0x5FFFF  }
0xae: {  	[dreg:$0x1] =	wrdreg $0xFFFFFFFF  }
0xaf: {  	[dreg:$0x0] =	wrdreg $0x60  }
0xb0: {  	[dreg:$0x2] =	wrdreg s19  }
0xb1: {  	[dreg:$0x3] =	wrdreg s2  }
0xb2: {  	[dreg:$0x4] =	wrdreg s4  }
0xb3: {  	[dreg:$0x5] =	wrdreg $0x9  }
0xb4: {  	_ =	task.clear_ibuf [dreg:s9], $0x6FFFF;
	_ =	strace $0x90000046  }
0xb5: {  	s29 =	simm.s32 $0x9;
	_ =	strace $0x80000048  }
0xb6: {  	_ =	swait.ge [sflag:s29], $0x1  }
0xb7: {  	[sflag:s29] =	ssyncadd.s32 $0xFFFFFFFF  }
0xb8: {  	_ =	strace $0x90000048  }
0xb9: {  	_ =	sfence  }
0xba: {  	s30 =	sld [smem:$0x0];
	_ =	sdelay $0x2  }
0xbb: {  	s31 =	sshll.u32 s1, $0xD;
	s1 =	sshrl.u32 s1, $0x2  }
0xbc: {  	s3 =	sand.u32 $0x4000, s31;
	s1 =	sadd.s32 s1, s30  }
0xbd: {  	s0 =	sor.u32 s3, s0;
	s1 =	sshll.u32 s1, $0x11  }
0xbe: {  	s0 =	sor.u32 s1, s0  }
0xbf: {  	s0 =	sadd.s32 $0x8F2B, s0  }
0xc0: {  	[sflag:s0] =	ssyncadd.remote.s32 $0x1  }
0xc1: {  	_ =	sfence.sel $0xFFFF  }
0xc2: {  	[dreg:$0x0] =	wrdreg $0xFFFFFFFF;
	(pc) =	sbr.abs _section_cstart, $3  }
0xc3: {  	[dreg:$0x1] =	wrdreg $0xFFFFFFFF  }
0xc4: {  	_ =	task.clear_ibuf [dreg:s9], $0x2FFFF;
	_ =	strace $0x9FFFFFFF  }
0xc5: {  	(tm) =	ssettm $0x7FFFFFFF  }
tec
execute0_lowered:
.L_overlay_start_1:
0x0: {  	(tag) =	ssettag $0x1  }
0x1: {  	s3 =	stileid.u32  }
0x2: {  	s0 =	srdreg.scid;
	s4 =	rddreg [dreg:$0x1]  }
0x3: {  	s6 =	rddreg [dreg:$0x2];
	s8 =	simm.s32 $0x0;
	s17 =	simm.s32 $0x80  }
0x4: {  	s18 =	simm.s32 $0x400;
	s20 =	simm.s32 $0x1;
	s21 =	simm.s32 $0x2  }
0x5: {  	s22 =	simm.s32 $0x1C700;
	s23 =	simm.s32 $0x1D700;
	s1 =	sshll.u32 s3, $0x1  }
0x6: {  	s24 =	simm.s32 $0x3;
	s0 =	sand.u32 $0x1, s0;
	s2 =	sand.u32 $0xE, s1  }
0x7: {  	s25 =	simm.s32 $0x4;
	s3 =	sshrl.u32 s3, $0x3;
	s2 =	sor.u32 s0, s2  }
0x8: {  	s26 =	simm.s32 $0x0;
	s7 =	sshll.u32 s3, $0x5;
	s5 =	sshll.u32 s2, $0x1  }
0x9: {  	[smem:$0x7FF] =	sst s8;
	s12 =	sadd.s32 $0x1000, s6;
	s7 =	sor.u32 s7, s5  }
0xa: {  	s13 =	sadd.s32 $0x2000, s6;
	s15 =	sadd.s32 $0x3000, s6;
	s9 =	sshrl.u32 s7, $0x3  }
0xb: {  	s1 =	rddreg [dreg:$0x0];
	s2 =	sshll.u32 s2, $0x8;
	s10 =	smul.u32 $0xC3800, s9  }
0xc: {  	_ =	strace $0x80000047;
	s0 =	ssub.s32 $0x2, s0;
	s9 =	sand.u32 $0x300, s2  }
0xd: {  	s11 =	sshll.u32 s3, $0x4;
	s31 =	sshrl.u32 s0, $0x1;
	s2 =	sor.u32 s9, s10  }
0xe: {  	s11 =	sadd.s32 s4, s11;
	s0 =	ssub.s32 s0, s31;
	s2 =	sshrl.u32 s2, $0x3  }
0xf: {  	s16 =	smax.u32 s0, $0x1;
	s14 =	sor.u32 $0x80, s9;
	s10 =	sadd.s32 s1, s2  }
.LBB2_1:
0x10: {  	[tilespmem:s8], [sflag:$0x1] =	stream.strided.gather [hbm4b:s10+s17], $0x18700, s18, s17, $0x38;
	[tilespmem:$0x1E700] =	vst v63  }
0x11: {  	s0 =	simm.s32 $0x18700;
	s28 =	simm.s32 $0x0  }
0x12: {  	[tilespmem:s0], [sflag:$0x2] =	stream.strided.gather [hbm4b:s11+s17], $0x4000, s18, s17, $0x38;
	[tilespmem:$0x1E700] =	vst v63  }
.LBB2_2:
0x13: {  	_ =	swait.ge [sflag:s20], $0x18700  }
0x14: {  	[sflag:s20] =	ssyncset.done $0x0  }
0x15: {  	[sflag:s20] =	ssyncadd.s32 $0xFFFE7900  }
0x16: {  	_ =	swait.ge [sflag:s21], $0x4000  }
0x17: {  	[sflag:s21] =	ssyncset.done $0x0  }
0x18: {  	s0 =	simm.s32 $0x18740;
	[sflag:s21] =	ssyncadd.s32 $0xFFFFC000  }
0x19: {  	v0 =	vld [tilespmem:s0+$0x30]  }
0x1a: {  	v1 =	vld [tilespmem:s0+$0xFFFFFFD0]  }
0x1b: {  	v2 =	vld [tilespmem:s0+$0xFFFFFFE0]  }
0x1c: {  	v3 =	vld [tilespmem:s0+$0xFFFFFFF0]  }
0x1d: {  	v6 =	vld [tilespmem:s0+$0x0]  }
0x1e: {  	v7 =	vld [tilespmem:s0+$0x10]  }
0x1f: {  	v8 =	vld [tilespmem:s0+$0x20]  }
0x20: {  	v9 =	vld [tilespmem:s0+$0xFFFFFFC0]  }
0x21: {  	v10 =	vld.idx.msk [tilespmem:v0+s8+$0x0], $0xffff  }
0x22: {  	v11 =	vld.idx.msk [tilespmem:v1+s8+$0x0], $0xffff  }
0x23: {  	v5 =	vld.idx.msk [tilespmem:v2+s8+$0x0], $0xffff  }
0x24: {  	v4 =	vld.idx.msk [tilespmem:v3+s8+$0x0], $0xffff  }
0x25: {  	v3 =	vld.idx.msk [tilespmem:v6+s8+$0x0], $0xffff  }
0x26: {  	s2 =	simm.s32 $0x1C740;
	v1 =	vld.idx.msk [tilespmem:v7+s8+$0x0], $0xffff  }
0x27: {  	v0 =	vld.idx.msk [tilespmem:v8+s8+$0x0], $0xffff;
	[tilespmem:s2+$0x30] =	vst v10  }
0x28: {  	s29 =	simm.s32 $0x0;
	s0 =	simm.s32 $0x187C0;
	v2 =	vld.idx.msk [tilespmem:v9+s8+$0x0], $0xffff;
	[tilespmem:s2+$0xFFFFFFD0] =	vst v11  }
.LBB2_3:
0x29: {  	v6 =	vld [tilespmem:s0+$0x30];
	s29 =	sadd.s32 $0x8, s29;
	[tilespmem:s2+$0xFFFFFFE0] =	vst v5  }
0x2a: {  	v5 =	vld [tilespmem:s0+$0xFFFFFFD0];
	p0 =	slt.u32 s29, $0xF8;
	[tilespmem:s2+$0xFFFFFFF0] =	vst v4  }
0x2b: {  	v4 =	vld [tilespmem:s0+$0xFFFFFFE0];
	[tilespmem:s2+$0x0] =	vst v3  }
0x2c: {  	v3 =	vld [tilespmem:s0+$0xFFFFFFF0];
	[tilespmem:s2+$0x10] =	vst v1  }
0x2d: {  	v1 =	vld [tilespmem:s0+$0x0];
	[tilespmem:s2+$0x20] =	vst v0  }
0x2e: {  	v0 =	vld [tilespmem:s0+$0x10];
	[tilespmem:s2+$0xFFFFFFC0] =	vst v2  }
0x2f: {  	v2 =	vld [tilespmem:s0+$0x20]  }
0x30: {  	v7 =	vld [tilespmem:s0+$0xFFFFFFC0]  }
0x31: {  	v6 =	vld.idx.msk [tilespmem:v6+s8+$0x0], $0xffff  }
0x32: {  	v8 =	vld.idx.msk [tilespmem:v5+s8+$0x0], $0xffff  }
0x33: {  	v5 =	vld.idx.msk [tilespmem:v4+s8+$0x0], $0xffff  }
.Ltmp0:
0x34: {  	v4 =	vld.idx.msk [tilespmem:v3+s8+$0x0], $0xffff;
	(pc) =	sbr.rel @p0 .LBB2_3-.Ltmp0, $4  }
0x35: {  	v3 =	vld.idx.msk [tilespmem:v1+s8+$0x0], $0xffff  }
0x36: {  	s2 =	sadd.s32 $0x80, s2;
	v1 =	vld.idx.msk [tilespmem:v0+s8+$0x0], $0xffff  }
0x37: {  	v0 =	vld.idx.msk [tilespmem:v2+s8+$0x0], $0xffff;
	[tilespmem:s2+$0x30] =	vst v6  }
0x38: {  	s0 =	sadd.s32 $0x80, s0;
	v2 =	vld.idx.msk [tilespmem:v7+s8+$0x0], $0xffff;
	[tilespmem:s2+$0xFFFFFFD0] =	vst v8  }
0x39: {  	s0 =	sshll.u32 s28, $0x6  }
0x3a: {  	[tilespmem:s2+$0xFFFFFFE0] =	vst v5;
	s29 =	sor.u32 s7, s0  }
0x3b: {  	[tilespmem:s2+$0xFFFFFFF0] =	vst v4;
	s30 =	sshll.u32 s29, $0xE  }
0x3c: {  	[tilespmem:s2+$0x0] =	vst v3;
	s19 =	sand.u32 $0x7FFE0000, s30  }
0x3d: {  	[tilespmem:s2+$0x10] =	vst v1;
	s0 =	sor.u32 s9, s19  }
0x3e: {  	[tilespmem:s2+$0x20] =	vst v0;
	s31 =	sshrl.u32 s0, $0x3  }
0x3f: {  	[tilespmem:s2+$0xFFFFFFC0] =	vst v2;
	s19 =	simm.s32 $0x19770;
	s0 =	sadd.s32 s6, s31  }
0x40: {  	[hbm4b:s0+s17] =	stream.strided.scatter [tilespmem:s22], [sflag:$0x3], $0x1000, s18, s17, $0x38;
	[tilespmem:$0x1E700] =	vst v63  }
0x41: {  	v0 =	vld [tilespmem:s19+$0x0]  }
0x42: {  	v1 =	vld [tilespmem:s19+$0xFFFFFFA0]  }
0x43: {  	v2 =	vld [tilespmem:s19+$0xFFFFFFB0]  }
0x44: {  	v3 =	vld [tilespmem:s19+$0xFFFFFFC0]  }
0x45: {  	v4 =	vld [tilespmem:s19+$0xFFFFFFD0]  }
0x46: {  	v6 =	vld [tilespmem:s19+$0xFFFFFFE0]  }
0x47: {  	v7 =	vld [tilespmem:s19+$0xFFFFFFF0]  }
0x48: {  	v8 =	vld [tilespmem:s19+$0xFFFFFF90]  }
0x49: {  	v9 =	vld.idx.msk [tilespmem:v0+s8+$0x0], $0xffff  }
0x4a: {  	v10 =	vld.idx.msk [tilespmem:v1+s8+$0x0], $0xffff  }
0x4b: {  	v5 =	vld.idx.msk [tilespmem:v2+s8+$0x0], $0xffff  }
0x4c: {  	v3 =	vld.idx.msk [tilespmem:v3+s8+$0x0], $0xffff  }
0x4d: {  	v0 =	vld.idx.msk [tilespmem:v4+s8+$0x0], $0xffff  }
0x4e: {  	s2 =	simm.s32 $0x1D740;
	v1 =	vld.idx.msk [tilespmem:v6+s8+$0x0], $0xffff  }
0x4f: {  	v2 =	vld.idx.msk [tilespmem:v7+s8+$0x0], $0xffff;
	[tilespmem:s2+$0x30] =	vst v9  }
0x50: {  	s0 =	simm.s32 $0x0;
	s19 =	simm.s32 $0x197F0;
	v4 =	vld.idx.msk [tilespmem:v8+s8+$0x0], $0xffff;
	[tilespmem:s2+$0xFFFFFFD0] =	vst v10  }
.LBB2_5:
0x51: {  	v6 =	vld [tilespmem:s19+$0x0];
	s0 =	sadd.s32 $0x8, s0;
	[tilespmem:s2+$0xFFFFFFE0] =	vst v5  }
0x52: {  	v5 =	vld [tilespmem:s19+$0xFFFFFFA0];
	p0 =	slt.u32 s0, $0xF8;
	[tilespmem:s2+$0xFFFFFFF0] =	vst v3  }
0x53: {  	v3 =	vld [tilespmem:s19+$0xFFFFFFB0];
	[tilespmem:s2+$0x0] =	vst v0  }
0x54: {  	v0 =	vld [tilespmem:s19+$0xFFFFFFC0];
	[tilespmem:s2+$0x10] =	vst v1  }
0x55: {  	v1 =	vld [tilespmem:s19+$0xFFFFFFD0];
	[tilespmem:s2+$0x20] =	vst v2  }
0x56: {  	v2 =	vld [tilespmem:s19+$0xFFFFFFE0];
	[tilespmem:s2+$0xFFFFFFC0] =	vst v4  }
0x57: {  	v4 =	vld [tilespmem:s19+$0xFFFFFFF0]  }
0x58: {  	v7 =	vld [tilespmem:s19+$0xFFFFFF90]  }
0x59: {  	v6 =	vld.idx.msk [tilespmem:v6+s8+$0x0], $0xffff  }
0x5a: {  	v8 =	vld.idx.msk [tilespmem:v5+s8+$0x0], $0xffff  }
0x5b: {  	v5 =	vld.idx.msk [tilespmem:v3+s8+$0x0], $0xffff  }
.Ltmp1:
0x5c: {  	v3 =	vld.idx.msk [tilespmem:v0+s8+$0x0], $0xffff;
	(pc) =	sbr.rel @p0 .LBB2_5-.Ltmp1, $4  }
0x5d: {  	v0 =	vld.idx.msk [tilespmem:v1+s8+$0x0], $0xffff  }
0x5e: {  	s2 =	sadd.s32 $0x80, s2;
	v1 =	vld.idx.msk [tilespmem:v2+s8+$0x0], $0xffff  }
0x5f: {  	v2 =	vld.idx.msk [tilespmem:v4+s8+$0x0], $0xffff;
	[tilespmem:s2+$0x30] =	vst v6  }
0x60: {  	s19 =	sadd.s32 $0x80, s19;
	v4 =	vld.idx.msk [tilespmem:v7+s8+$0x0], $0xffff;
	[tilespmem:s2+$0xFFFFFFD0] =	vst v8  }
0x61: {  	[tilespmem:s2+$0xFFFFFFE0] =	vst v5  }
0x62: {  	[tilespmem:s2+$0xFFFFFFF0] =	vst v3  }
0x63: {  	[tilespmem:s2+$0x0] =	vst v0  }
0x64: {  	[tilespmem:s2+$0x10] =	vst v1  }
0x65: {  	[tilespmem:s2+$0x20] =	vst v2  }
0x66: {  	s0 =	sadd.s32 s31, s12;
	[tilespmem:s2+$0xFFFFFFC0] =	vst v4  }
0x67: {  	[hbm4b:s0+s17] =	stream.strided.scatter [tilespmem:s23], [sflag:$0x4], $0x1000, s18, s17, $0x38;
	[tilespmem:$0x1E700] =	vst v63  }
0x68: {  	_ =	swait.ge [sflag:s24], $0x1000  }
0x69: {  	[sflag:s24] =	ssyncset.done $0x0  }
0x6a: {  	s19 =	simm.s32 $0x1A770;
	[sflag:s24] =	ssyncadd.s32 $0xFFFFF000  }
0x6b: {  	v0 =	vld [tilespmem:s19+$0x0]  }
0x6c: {  	v1 =	vld [tilespmem:s19+$0xFFFFFFA0]  }
0x6d: {  	v2 =	vld [tilespmem:s19+$0xFFFFFFB0]  }
0x6e: {  	v3 =	vld [tilespmem:s19+$0xFFFFFFC0]  }
0x6f: {  	v4 =	vld [tilespmem:s19+$0xFFFFFFD0]  }
0x70: {  	v6 =	vld [tilespmem:s19+$0xFFFFFFE0]  }
0x71: {  	v7 =	vld [tilespmem:s19+$0xFFFFFFF0]  }
0x72: {  	v8 =	vld [tilespmem:s19+$0xFFFFFF90]  }
0x73: {  	v9 =	vld.idx.msk [tilespmem:v0+s8+$0x0], $0xffff  }
0x74: {  	v10 =	vld.idx.msk [tilespmem:v1+s8+$0x0], $0xffff  }
0x75: {  	v5 =	vld.idx.msk [tilespmem:v2+s8+$0x0], $0xffff  }
0x76: {  	v3 =	vld.idx.msk [tilespmem:v3+s8+$0x0], $0xffff  }
0x77: {  	v0 =	vld.idx.msk [tilespmem:v4+s8+$0x0], $0xffff  }
0x78: {  	s2 =	simm.s32 $0x1C740;
	v1 =	vld.idx.msk [tilespmem:v6+s8+$0x0], $0xffff  }
0x79: {  	v2 =	vld.idx.msk [tilespmem:v7+s8+$0x0], $0xffff;
	[tilespmem:s2+$0x30] =	vst v9  }
0x7a: {  	s0 =	simm.s32 $0x0;
	s19 =	simm.s32 $0x1A7F0;
	v4 =	vld.idx.msk [tilespmem:v8+s8+$0x0], $0xffff;
	[tilespmem:s2+$0xFFFFFFD0] =	vst v10  }
.LBB2_7:
0x7b: {  	v6 =	vld [tilespmem:s19+$0x0];
	s0 =	sadd.s32 $0x8, s0;
	[tilespmem:s2+$0xFFFFFFE0] =	vst v5  }
0x7c: {  	v5 =	vld [tilespmem:s19+$0xFFFFFFA0];
	p0 =	slt.u32 s0, $0xF8;
	[tilespmem:s2+$0xFFFFFFF0] =	vst v3  }
0x7d: {  	v3 =	vld [tilespmem:s19+$0xFFFFFFB0];
	[tilespmem:s2+$0x0] =	vst v0  }
0x7e: {  	v0 =	vld [tilespmem:s19+$0xFFFFFFC0];
	[tilespmem:s2+$0x10] =	vst v1  }
0x7f: {  	v1 =	vld [tilespmem:s19+$0xFFFFFFD0];
	[tilespmem:s2+$0x20] =	vst v2  }
0x80: {  	v2 =	vld [tilespmem:s19+$0xFFFFFFE0];
	[tilespmem:s2+$0xFFFFFFC0] =	vst v4  }
0x81: {  	v4 =	vld [tilespmem:s19+$0xFFFFFFF0]  }
0x82: {  	v7 =	vld [tilespmem:s19+$0xFFFFFF90]  }
0x83: {  	v6 =	vld.idx.msk [tilespmem:v6+s8+$0x0], $0xffff  }
0x84: {  	v8 =	vld.idx.msk [tilespmem:v5+s8+$0x0], $0xffff  }
0x85: {  	v5 =	vld.idx.msk [tilespmem:v3+s8+$0x0], $0xffff  }
.Ltmp2:
0x86: {  	v3 =	vld.idx.msk [tilespmem:v0+s8+$0x0], $0xffff;
	(pc) =	sbr.rel @p0 .LBB2_7-.Ltmp2, $4  }
0x87: {  	v0 =	vld.idx.msk [tilespmem:v1+s8+$0x0], $0xffff  }
0x88: {  	s2 =	sadd.s32 $0x80, s2;
	v1 =	vld.idx.msk [tilespmem:v2+s8+$0x0], $0xffff  }
0x89: {  	v2 =	vld.idx.msk [tilespmem:v4+s8+$0x0], $0xffff;
	[tilespmem:s2+$0x30] =	vst v6  }
0x8a: {  	s19 =	sadd.s32 $0x80, s19;
	v4 =	vld.idx.msk [tilespmem:v7+s8+$0x0], $0xffff;
	[tilespmem:s2+$0xFFFFFFD0] =	vst v8  }
0x8b: {  	[tilespmem:s2+$0xFFFFFFE0] =	vst v5  }
0x8c: {  	[tilespmem:s2+$0xFFFFFFF0] =	vst v3  }
0x8d: {  	[tilespmem:s2+$0x0] =	vst v0  }
0x8e: {  	[tilespmem:s2+$0x10] =	vst v1  }
0x8f: {  	[tilespmem:s2+$0x20] =	vst v2  }
0x90: {  	s0 =	sadd.s32 s31, s13;
	[tilespmem:s2+$0xFFFFFFC0] =	vst v4  }
0x91: {  	[hbm4b:s0+s17] =	stream.strided.scatter [tilespmem:s22], [sflag:$0x3], $0x1000, s18, s17, $0x38;
	[tilespmem:$0x1E700] =	vst v63  }
0x92: {  	_ =	swait.ge [sflag:s25], $0x1000  }
0x93: {  	[sflag:s25] =	ssyncset.done $0x0  }
0x94: {  	s31 =	simm.s32 $0x1B770;
	[sflag:s25] =	ssyncadd.s32 $0xFFFFF000  }
0x95: {  	v0 =	vld [tilespmem:s31+$0x0]  }
0x96: {  	v1 =	vld [tilespmem:s31+$0xFFFFFFA0]  }
0x97: {  	v2 =	vld [tilespmem:s31+$0xFFFFFFB0]  }
0x98: {  	v3 =	vld [tilespmem:s31+$0xFFFFFFC0]  }
0x99: {  	v6 =	vld [tilespmem:s31+$0xFFFFFFD0]  }
0x9a: {  	v7 =	vld [tilespmem:s31+$0xFFFFFFE0]  }
0x9b: {  	v8 =	vld [tilespmem:s31+$0xFFFFFFF0]  }
0x9c: {  	v9 =	vld [tilespmem:s31+$0xFFFFFF90]  }
0x9d: {  	v10 =	vld.idx.msk [tilespmem:v0+s8+$0x0], $0xffff  }
0x9e: {  	v11 =	vld.idx.msk [tilespmem:v1+s8+$0x0], $0xffff  }
0x9f: {  	v5 =	vld.idx.msk [tilespmem:v2+s8+$0x0], $0xffff  }
0xa0: {  	v4 =	vld.idx.msk [tilespmem:v3+s8+$0x0], $0xffff  }
0xa1: {  	v3 =	vld.idx.msk [tilespmem:v6+s8+$0x0], $0xffff  }
0xa2: {  	s2 =	simm.s32 $0x1D740;
	v2 =	vld.idx.msk [tilespmem:v7+s8+$0x0], $0xffff  }
0xa3: {  	v0 =	vld.idx.msk [tilespmem:v8+s8+$0x0], $0xffff;
	[tilespmem:s2+$0x30] =	vst v10  }
0xa4: {  	s19 =	simm.s32 $0x1B7F0;
	s0 =	simm.s32 $0x0;
	v1 =	vld.idx.msk [tilespmem:v9+s8+$0x0], $0xffff;
	[tilespmem:s2+$0xFFFFFFD0] =	vst v11  }
.LBB2_9:
0xa5: {  	v6 =	vld [tilespmem:s19+$0x0];
	s0 =	sadd.s32 $0x8, s0;
	[tilespmem:s2+$0xFFFFFFE0] =	vst v5  }
0xa6: {  	v5 =	vld [tilespmem:s19+$0xFFFFFFA0];
	p0 =	slt.u32 s0, $0xF8;
	[tilespmem:s2+$0xFFFFFFF0] =	vst v4  }
0xa7: {  	v4 =	vld [tilespmem:s19+$0xFFFFFFB0];
	[tilespmem:s2+$0x0] =	vst v3  }
0xa8: {  	v3 =	vld [tilespmem:s19+$0xFFFFFFC0];
	[tilespmem:s2+$0x10] =	vst v2  }
0xa9: {  	v2 =	vld [tilespmem:s19+$0xFFFFFFD0];
	[tilespmem:s2+$0x20] =	vst v0  }
0xaa: {  	v0 =	vld [tilespmem:s19+$0xFFFFFFE0];
	[tilespmem:s2+$0xFFFFFFC0] =	vst v1  }
0xab: {  	v1 =	vld [tilespmem:s19+$0xFFFFFFF0]  }
0xac: {  	v7 =	vld [tilespmem:s19+$0xFFFFFF90]  }
0xad: {  	v6 =	vld.idx.msk [tilespmem:v6+s8+$0x0], $0xffff  }
0xae: {  	v8 =	vld.idx.msk [tilespmem:v5+s8+$0x0], $0xffff  }
0xaf: {  	v5 =	vld.idx.msk [tilespmem:v4+s8+$0x0], $0xffff  }
.Ltmp3:
0xb0: {  	v4 =	vld.idx.msk [tilespmem:v3+s8+$0x0], $0xffff;
	(pc) =	sbr.rel @p0 .LBB2_9-.Ltmp3, $4  }
0xb1: {  	v3 =	vld.idx.msk [tilespmem:v2+s8+$0x0], $0xffff  }
0xb2: {  	s2 =	sadd.s32 $0x80, s2;
	v2 =	vld.idx.msk [tilespmem:v0+s8+$0x0], $0xffff  }
0xb3: {  	v0 =	vld.idx.msk [tilespmem:v1+s8+$0x0], $0xffff;
	[tilespmem:s2+$0x30] =	vst v6  }
0xb4: {  	s19 =	sadd.s32 $0x80, s19;
	v1 =	vld.idx.msk [tilespmem:v7+s8+$0x0], $0xffff;
	[tilespmem:s2+$0xFFFFFFD0] =	vst v8  }
0xb5: {  	[tilespmem:s2+$0xFFFFFFE0] =	vst v5  }
0xb6: {  	[tilespmem:s2+$0xFFFFFFF0] =	vst v4  }
0xb7: {  	s0 =	sor.u32 s9, s30;
	s29 =	sshrl.u32 s29, $0x3;
	[tilespmem:s2+$0x0] =	vst v3  }
0xb8: {  	s0 =	sshrl.u32 s0, $0x3;
	s19 =	smul.u32 $0xC3800, s29;
	[tilespmem:s2+$0x10] =	vst v2  }
0xb9: {  	s0 =	sor.u32 $0x3000, s0;
	[tilespmem:s2+$0x20] =	vst v0  }
0xba: {  	s0 =	sadd.s32 s6, s0;
	s30 =	sor.u32 s14, s19;
	[tilespmem:s2+$0xFFFFFFC0] =	vst v1  }
0xbb: {  	[hbm4b:s0+s17] =	stream.strided.scatter [tilespmem:s23], [sflag:$0x4], $0x1000, s18, s17, $0x38;
	[tilespmem:$0x1E700] =	vst v63  }
0xbc: {  	s0 =	sshrl.u32 s30, $0x3  }
0xbd: {  	s0 =	sadd.s32 s1, s0  }
0xbe: {  	[tilespmem:s8], [sflag:$0x1] =	stream.strided.gather [hbm4b:s0+s17], $0x18700, s18, s17, $0x38;
	[tilespmem:$0x1E700] =	vst v63  }
0xbf: {  	_ =	swait.ge [sflag:s24], $0x1000  }
0xc0: {  	[sflag:s24] =	ssyncset.done $0x0  }
0xc1: {  	[sflag:s24] =	ssyncadd.s32 $0xFFFFF000  }
0xc2: {  	_ =	swait.ge [sflag:s25], $0x1000  }
0xc3: {  	[sflag:s25] =	ssyncset.done $0x0  }
0xc4: {  	[sflag:s25] =	ssyncadd.s32 $0xFFFFF000  }
0xc5: {  	_ =	swait.ge [sflag:s20], $0x18700  }
0xc6: {  	[sflag:s20] =	ssyncset.done $0x0  }
0xc7: {  	s31 =	simm.s32 $0x18740;
	[sflag:s20] =	ssyncadd.s32 $0xFFFE7900  }
0xc8: {  	v0 =	vld [tilespmem:s31+$0x30]  }
0xc9: {  	v1 =	vld [tilespmem:s31+$0xFFFFFFD0]  }
0xca: {  	v2 =	vld [tilespmem:s31+$0xFFFFFFE0]  }
0xcb: {  	v3 =	vld [tilespmem:s31+$0xFFFFFFF0]  }
0xcc: {  	v6 =	vld [tilespmem:s31+$0x0]  }
0xcd: {  	v7 =	vld [tilespmem:s31+$0x10]  }
0xce: {  	v8 =	vld [tilespmem:s31+$0x20]  }
0xcf: {  	v9 =	vld [tilespmem:s31+$0xFFFFFFC0]  }
0xd0: {  	v10 =	vld.idx.msk [tilespmem:v0+s8+$0x0], $0xffff  }
0xd1: {  	v11 =	vld.idx.msk [tilespmem:v1+s8+$0x0], $0xffff  }
0xd2: {  	v5 =	vld.idx.msk [tilespmem:v2+s8+$0x0], $0xffff  }
0xd3: {  	v4 =	vld.idx.msk [tilespmem:v3+s8+$0x0], $0xffff  }
0xd4: {  	v3 =	vld.idx.msk [tilespmem:v6+s8+$0x0], $0xffff  }
0xd5: {  	s2 =	simm.s32 $0x1C740;
	v1 =	vld.idx.msk [tilespmem:v7+s8+$0x0], $0xffff  }
0xd6: {  	v0 =	vld.idx.msk [tilespmem:v8+s8+$0x0], $0xffff;
	[tilespmem:s2+$0x30] =	vst v10  }
0xd7: {  	s19 =	simm.s32 $0x187C0;
	s0 =	simm.s32 $0x0;
	v2 =	vld.idx.msk [tilespmem:v9+s8+$0x0], $0xffff;
	[tilespmem:s2+$0xFFFFFFD0] =	vst v11  }
.LBB2_11:
0xd8: {  	v6 =	vld [tilespmem:s19+$0x30];
	s0 =	sadd.s32 $0x8, s0;
	[tilespmem:s2+$0xFFFFFFE0] =	vst v5  }
0xd9: {  	v5 =	vld [tilespmem:s19+$0xFFFFFFD0];
	p0 =	slt.u32 s0, $0xF8;
	[tilespmem:s2+$0xFFFFFFF0] =	vst v4  }
0xda: {  	v4 =	vld [tilespmem:s19+$0xFFFFFFE0];
	[tilespmem:s2+$0x0] =	vst v3  }
0xdb: {  	v3 =	vld [tilespmem:s19+$0xFFFFFFF0];
	[tilespmem:s2+$0x10] =	vst v1  }
0xdc: {  	v1 =	vld [tilespmem:s19+$0x0];
	[tilespmem:s2+$0x20] =	vst v0  }
0xdd: {  	v0 =	vld [tilespmem:s19+$0x10];
	[tilespmem:s2+$0xFFFFFFC0] =	vst v2  }
0xde: {  	v2 =	vld [tilespmem:s19+$0x20]  }
0xdf: {  	v7 =	vld [tilespmem:s19+$0xFFFFFFC0]  }
0xe0: {  	v6 =	vld.idx.msk [tilespmem:v6+s8+$0x0], $0xffff  }
0xe1: {  	v8 =	vld.idx.msk [tilespmem:v5+s8+$0x0], $0xffff  }
0xe2: {  	v5 =	vld.idx.msk [tilespmem:v4+s8+$0x0], $0xffff  }
.Ltmp4:
0xe3: {  	v4 =	vld.idx.msk [tilespmem:v3+s8+$0x0], $0xffff;
	(pc) =	sbr.rel @p0 .LBB2_11-.Ltmp4, $4  }
0xe4: {  	v3 =	vld.idx.msk [tilespmem:v1+s8+$0x0], $0xffff  }
0xe5: {  	s2 =	sadd.s32 $0x80, s2;
	v1 =	vld.idx.msk [tilespmem:v0+s8+$0x0], $0xffff  }
0xe6: {  	v0 =	vld.idx.msk [tilespmem:v2+s8+$0x0], $0xffff;
	[tilespmem:s2+$0x30] =	vst v6  }
0xe7: {  	s19 =	sadd.s32 $0x80, s19;
	v2 =	vld.idx.msk [tilespmem:v7+s8+$0x0], $0xffff;
	[tilespmem:s2+$0xFFFFFFD0] =	vst v8  }
0xe8: {  	[tilespmem:s2+$0xFFFFFFE0] =	vst v5  }
0xe9: {  	[tilespmem:s2+$0xFFFFFFF0] =	vst v4  }
0xea: {  	s0 =	sshll.u32 s29, $0x11;
	[tilespmem:s2+$0x0] =	vst v3  }
0xeb: {  	s0 =	sor.u32 s14, s0;
	[tilespmem:s2+$0x10] =	vst v1  }
0xec: {  	s29 =	sshrl.u32 s0, $0x3;
	[tilespmem:s2+$0x20] =	vst v0  }
0xed: {  	s31 =	simm.s32 $0x19770;
	s0 =	sadd.s32 s6, s29;
	[tilespmem:s2+$0xFFFFFFC0] =	vst v2  }
0xee: {  	[hbm4b:s0+s17] =	stream.strided.scatter [tilespmem:s22], [sflag:$0x3], $0x1000, s18, s17, $0x38;
	[tilespmem:$0x1E700] =	vst v63  }
0xef: {  	v0 =	vld [tilespmem:s31+$0x0]  }
0xf0: {  	v1 =	vld [tilespmem:s31+$0xFFFFFFA0]  }
0xf1: {  	v2 =	vld [tilespmem:s31+$0xFFFFFFB0]  }
0xf2: {  	v3 =	vld [tilespmem:s31+$0xFFFFFFC0]  }
0xf3: {  	v4 =	vld [tilespmem:s31+$0xFFFFFFD0]  }
0xf4: {  	v6 =	vld [tilespmem:s31+$0xFFFFFFE0]  }
0xf5: {  	v7 =	vld [tilespmem:s31+$0xFFFFFFF0]  }
0xf6: {  	v8 =	vld [tilespmem:s31+$0xFFFFFF90]  }
0xf7: {  	v9 =	vld.idx.msk [tilespmem:v0+s8+$0x0], $0xffff  }
0xf8: {  	v10 =	vld.idx.msk [tilespmem:v1+s8+$0x0], $0xffff  }
0xf9: {  	v5 =	vld.idx.msk [tilespmem:v2+s8+$0x0], $0xffff  }
0xfa: {  	v3 =	vld.idx.msk [tilespmem:v3+s8+$0x0], $0xffff  }
0xfb: {  	v0 =	vld.idx.msk [tilespmem:v4+s8+$0x0], $0xffff  }
0xfc: {  	s2 =	simm.s32 $0x1D740;
	v1 =	vld.idx.msk [tilespmem:v6+s8+$0x0], $0xffff  }
0xfd: {  	v2 =	vld.idx.msk [tilespmem:v7+s8+$0x0], $0xffff;
	[tilespmem:s2+$0x30] =	vst v9  }
0xfe: {  	s19 =	simm.s32 $0x197F0;
	s0 =	simm.s32 $0x0;
	v4 =	vld.idx.msk [tilespmem:v8+s8+$0x0], $0xffff;
	[tilespmem:s2+$0xFFFFFFD0] =	vst v10  }
.LBB2_13:
0xff: {  	v6 =	vld [tilespmem:s19+$0x0];
	s0 =	sadd.s32 $0x8, s0;
	[tilespmem:s2+$0xFFFFFFE0] =	vst v5  }
0x100: {  	v5 =	vld [tilespmem:s19+$0xFFFFFFA0];
	p0 =	slt.u32 s0, $0xF8;
	[tilespmem:s2+$0xFFFFFFF0] =	vst v3  }
0x101: {  	v3 =	vld [tilespmem:s19+$0xFFFFFFB0];
	[tilespmem:s2+$0x0] =	vst v0  }
0x102: {  	v0 =	vld [tilespmem:s19+$0xFFFFFFC0];
	[tilespmem:s2+$0x10] =	vst v1  }
0x103: {  	v1 =	vld [tilespmem:s19+$0xFFFFFFD0];
	[tilespmem:s2+$0x20] =	vst v2  }
0x104: {  	v2 =	vld [tilespmem:s19+$0xFFFFFFE0];
	[tilespmem:s2+$0xFFFFFFC0] =	vst v4  }
0x105: {  	v4 =	vld [tilespmem:s19+$0xFFFFFFF0]  }
0x106: {  	v7 =	vld [tilespmem:s19+$0xFFFFFF90]  }
0x107: {  	v6 =	vld.idx.msk [tilespmem:v6+s8+$0x0], $0xffff  }
0x108: {  	v8 =	vld.idx.msk [tilespmem:v5+s8+$0x0], $0xffff  }
0x109: {  	v5 =	vld.idx.msk [tilespmem:v3+s8+$0x0], $0xffff  }
.Ltmp5:
0x10a: {  	v3 =	vld.idx.msk [tilespmem:v0+s8+$0x0], $0xffff;
	(pc) =	sbr.rel @p0 .LBB2_13-.Ltmp5, $4  }
0x10b: {  	v0 =	vld.idx.msk [tilespmem:v1+s8+$0x0], $0xffff  }
0x10c: {  	s2 =	sadd.s32 $0x80, s2;
	v1 =	vld.idx.msk [tilespmem:v2+s8+$0x0], $0xffff  }
0x10d: {  	v2 =	vld.idx.msk [tilespmem:v4+s8+$0x0], $0xffff;
	[tilespmem:s2+$0x30] =	vst v6  }
0x10e: {  	s19 =	sadd.s32 $0x80, s19;
	v4 =	vld.idx.msk [tilespmem:v7+s8+$0x0], $0xffff;
	[tilespmem:s2+$0xFFFFFFD0] =	vst v8  }
0x10f: {  	[tilespmem:s2+$0xFFFFFFE0] =	vst v5  }
0x110: {  	[tilespmem:s2+$0xFFFFFFF0] =	vst v3  }
0x111: {  	[tilespmem:s2+$0x0] =	vst v0  }
0x112: {  	[tilespmem:s2+$0x10] =	vst v1  }
0x113: {  	[tilespmem:s2+$0x20] =	vst v2  }
0x114: {  	s0 =	sadd.s32 s29, s12;
	[tilespmem:s2+$0xFFFFFFC0] =	vst v4  }
0x115: {  	[hbm4b:s0+s17] =	stream.strided.scatter [tilespmem:s23], [sflag:$0x4], $0x1000, s18, s17, $0x38;
	[tilespmem:$0x1E700] =	vst v63  }
0x116: {  	_ =	swait.ge [sflag:s24], $0x1000  }
0x117: {  	[sflag:s24] =	ssyncset.done $0x0  }
0x118: {  	s31 =	simm.s32 $0x1A770;
	[sflag:s24] =	ssyncadd.s32 $0xFFFFF000  }
0x119: {  	v0 =	vld [tilespmem:s31+$0x0]  }
0x11a: {  	v1 =	vld [tilespmem:s31+$0xFFFFFFA0]  }
0x11b: {  	v2 =	vld [tilespmem:s31+$0xFFFFFFB0]  }
0x11c: {  	v3 =	vld [tilespmem:s31+$0xFFFFFFC0]  }
0x11d: {  	v4 =	vld [tilespmem:s31+$0xFFFFFFD0]  }
0x11e: {  	v6 =	vld [tilespmem:s31+$0xFFFFFFE0]  }
0x11f: {  	v7 =	vld [tilespmem:s31+$0xFFFFFFF0]  }
0x120: {  	v8 =	vld [tilespmem:s31+$0xFFFFFF90]  }
0x121: {  	v9 =	vld.idx.msk [tilespmem:v0+s8+$0x0], $0xffff  }
0x122: {  	v10 =	vld.idx.msk [tilespmem:v1+s8+$0x0], $0xffff  }
0x123: {  	v5 =	vld.idx.msk [tilespmem:v2+s8+$0x0], $0xffff  }
0x124: {  	v3 =	vld.idx.msk [tilespmem:v3+s8+$0x0], $0xffff  }
0x125: {  	v0 =	vld.idx.msk [tilespmem:v4+s8+$0x0], $0xffff  }
0x126: {  	s2 =	simm.s32 $0x1C740;
	v1 =	vld.idx.msk [tilespmem:v6+s8+$0x0], $0xffff  }
0x127: {  	v2 =	vld.idx.msk [tilespmem:v7+s8+$0x0], $0xffff;
	[tilespmem:s2+$0x30] =	vst v9  }
0x128: {  	s19 =	simm.s32 $0x1A7F0;
	s0 =	simm.s32 $0x0;
	v4 =	vld.idx.msk [tilespmem:v8+s8+$0x0], $0xffff;
	[tilespmem:s2+$0xFFFFFFD0] =	vst v10  }
.LBB2_15:
0x129: {  	v6 =	vld [tilespmem:s19+$0x0];
	s0 =	sadd.s32 $0x8, s0;
	[tilespmem:s2+$0xFFFFFFE0] =	vst v5  }
0x12a: {  	v5 =	vld [tilespmem:s19+$0xFFFFFFA0];
	p0 =	slt.u32 s0, $0xF8;
	[tilespmem:s2+$0xFFFFFFF0] =	vst v3  }
0x12b: {  	v3 =	vld [tilespmem:s19+$0xFFFFFFB0];
	[tilespmem:s2+$0x0] =	vst v0  }
0x12c: {  	v0 =	vld [tilespmem:s19+$0xFFFFFFC0];
	[tilespmem:s2+$0x10] =	vst v1  }
0x12d: {  	v1 =	vld [tilespmem:s19+$0xFFFFFFD0];
	[tilespmem:s2+$0x20] =	vst v2  }
0x12e: {  	v2 =	vld [tilespmem:s19+$0xFFFFFFE0];
	[tilespmem:s2+$0xFFFFFFC0] =	vst v4  }
0x12f: {  	v4 =	vld [tilespmem:s19+$0xFFFFFFF0]  }
0x130: {  	v7 =	vld [tilespmem:s19+$0xFFFFFF90]  }
0x131: {  	v6 =	vld.idx.msk [tilespmem:v6+s8+$0x0], $0xffff  }
0x132: {  	v8 =	vld.idx.msk [tilespmem:v5+s8+$0x0], $0xffff  }
0x133: {  	v5 =	vld.idx.msk [tilespmem:v3+s8+$0x0], $0xffff  }
.Ltmp6:
0x134: {  	v3 =	vld.idx.msk [tilespmem:v0+s8+$0x0], $0xffff;
	(pc) =	sbr.rel @p0 .LBB2_15-.Ltmp6, $4  }
0x135: {  	v0 =	vld.idx.msk [tilespmem:v1+s8+$0x0], $0xffff  }
0x136: {  	s2 =	sadd.s32 $0x80, s2;
	v1 =	vld.idx.msk [tilespmem:v2+s8+$0x0], $0xffff  }
0x137: {  	v2 =	vld.idx.msk [tilespmem:v4+s8+$0x0], $0xffff;
	[tilespmem:s2+$0x30] =	vst v6  }
0x138: {  	s19 =	sadd.s32 $0x80, s19;
	v4 =	vld.idx.msk [tilespmem:v7+s8+$0x0], $0xffff;
	[tilespmem:s2+$0xFFFFFFD0] =	vst v8  }
0x139: {  	[tilespmem:s2+$0xFFFFFFE0] =	vst v5  }
0x13a: {  	[tilespmem:s2+$0xFFFFFFF0] =	vst v3  }
0x13b: {  	[tilespmem:s2+$0x0] =	vst v0  }
0x13c: {  	[tilespmem:s2+$0x10] =	vst v1  }
0x13d: {  	[tilespmem:s2+$0x20] =	vst v2  }
0x13e: {  	s0 =	sadd.s32 s29, s13;
	[tilespmem:s2+$0xFFFFFFC0] =	vst v4  }
0x13f: {  	[hbm4b:s0+s17] =	stream.strided.scatter [tilespmem:s22], [sflag:$0x3], $0x1000, s18, s17, $0x38;
	[tilespmem:$0x1E700] =	vst v63  }
0x140: {  	_ =	swait.ge [sflag:s25], $0x1000  }
0x141: {  	[sflag:s25] =	ssyncset.done $0x0  }
0x142: {  	s31 =	simm.s32 $0x1B770;
	[sflag:s25] =	ssyncadd.s32 $0xFFFFF000  }
0x143: {  	v0 =	vld [tilespmem:s31+$0x0]  }
0x144: {  	v1 =	vld [tilespmem:s31+$0xFFFFFFA0]  }
0x145: {  	v2 =	vld [tilespmem:s31+$0xFFFFFFB0]  }
0x146: {  	v3 =	vld [tilespmem:s31+$0xFFFFFFC0]  }
0x147: {  	v6 =	vld [tilespmem:s31+$0xFFFFFFD0]  }
0x148: {  	v7 =	vld [tilespmem:s31+$0xFFFFFFE0]  }
0x149: {  	v8 =	vld [tilespmem:s31+$0xFFFFFFF0]  }
0x14a: {  	v9 =	vld [tilespmem:s31+$0xFFFFFF90]  }
0x14b: {  	v10 =	vld.idx.msk [tilespmem:v0+s8+$0x0], $0xffff  }
0x14c: {  	v11 =	vld.idx.msk [tilespmem:v1+s8+$0x0], $0xffff  }
0x14d: {  	v5 =	vld.idx.msk [tilespmem:v2+s8+$0x0], $0xffff  }
0x14e: {  	v4 =	vld.idx.msk [tilespmem:v3+s8+$0x0], $0xffff  }
0x14f: {  	v3 =	vld.idx.msk [tilespmem:v6+s8+$0x0], $0xffff  }
0x150: {  	s30 =	simm.s32 $0x1D740;
	v1 =	vld.idx.msk [tilespmem:v7+s8+$0x0], $0xffff  }
0x151: {  	v0 =	vld.idx.msk [tilespmem:v8+s8+$0x0], $0xffff;
	[tilespmem:s30+$0x30] =	vst v10  }
0x152: {  	s2 =	simm.s32 $0x1B7F0;
	s0 =	simm.s32 $0x0;
	v2 =	vld.idx.msk [tilespmem:v9+s8+$0x0], $0xffff;
	[tilespmem:s30+$0xFFFFFFD0] =	vst v11  }
.LBB2_17:
0x153: {  	v6 =	vld [tilespmem:s2+$0x0];
	s0 =	sadd.s32 $0x8, s0;
	[tilespmem:s30+$0xFFFFFFE0] =	vst v5  }
0x154: {  	v5 =	vld [tilespmem:s2+$0xFFFFFFA0];
	p0 =	slt.u32 s0, $0xF8;
	[tilespmem:s30+$0xFFFFFFF0] =	vst v4  }
0x155: {  	v4 =	vld [tilespmem:s2+$0xFFFFFFB0];
	[tilespmem:s30+$0x0] =	vst v3  }
0x156: {  	v3 =	vld [tilespmem:s2+$0xFFFFFFC0];
	[tilespmem:s30+$0x10] =	vst v1  }
0x157: {  	v1 =	vld [tilespmem:s2+$0xFFFFFFD0];
	[tilespmem:s30+$0x20] =	vst v0  }
0x158: {  	v0 =	vld [tilespmem:s2+$0xFFFFFFE0];
	[tilespmem:s30+$0xFFFFFFC0] =	vst v2  }
0x159: {  	v2 =	vld [tilespmem:s2+$0xFFFFFFF0]  }
0x15a: {  	v7 =	vld [tilespmem:s2+$0xFFFFFF90]  }
0x15b: {  	v6 =	vld.idx.msk [tilespmem:v6+s8+$0x0], $0xffff  }
0x15c: {  	v8 =	vld.idx.msk [tilespmem:v5+s8+$0x0], $0xffff  }
0x15d: {  	v5 =	vld.idx.msk [tilespmem:v4+s8+$0x0], $0xffff  }
.Ltmp7:
0x15e: {  	v4 =	vld.idx.msk [tilespmem:v3+s8+$0x0], $0xffff;
	(pc) =	sbr.rel @p0 .LBB2_17-.Ltmp7, $4  }
0x15f: {  	v3 =	vld.idx.msk [tilespmem:v1+s8+$0x0], $0xffff  }
0x160: {  	s30 =	sadd.s32 $0x80, s30;
	v1 =	vld.idx.msk [tilespmem:v0+s8+$0x0], $0xffff  }
0x161: {  	v0 =	vld.idx.msk [tilespmem:v2+s8+$0x0], $0xffff;
	[tilespmem:s30+$0x30] =	vst v6  }
0x162: {  	s2 =	sadd.s32 $0x80, s2;
	v2 =	vld.idx.msk [tilespmem:v7+s8+$0x0], $0xffff;
	[tilespmem:s30+$0xFFFFFFD0] =	vst v8  }
0x163: {  	s0 =	sadd.s32 $0x1, s28;
	p0 =	seq.s32 s28, $0xC  }
0x164: {  	[tilespmem:s30+$0xFFFFFFE0] =	vst v5;
	s2 =	sshll.u32 @!p0 s0, $0x1  }
0x165: {  	[tilespmem:s30+$0xFFFFFFF0] =	vst v4;
	s2 =	sor.u32 @!p0 s3, s2  }
0x166: {  	[tilespmem:s30+$0x0] =	vst v3;
	s19 =	sshll.u32 @!p0 s2, $0x5  }
0x167: {  	[tilespmem:s30+$0x10] =	vst v1;
	s19 =	sor.u32 @!p0 s5, s19  }
0x168: {  	[tilespmem:s30+$0x20] =	vst v0;
	s19 =	sshrl.u32 @!p0 s19, $0x3  }
0x169: {  	s28 =	sadd.s32 s29, s15;
	[tilespmem:s30+$0xFFFFFFC0] =	vst v2;
	s19 =	smul.u32 @!p0 $0xC3800, s19  }
0x16a: {  	[hbm4b:s28+s17] =	stream.strided.scatter [tilespmem:s23], [sflag:$0x4], $0x1000, s18, s17, $0x38;
	[tilespmem:$0x1E700] =	vst v63  }
0x16b: {  	s19 =	sor.u32 @!p0 s9, s19  }
0x16c: {  	s29 =	simm.s32 @!p0 $0x400;
	s19 =	sshrl.u32 @!p0 s19, $0x3  }
0x16d: {  	s30 =	simm.s32 @!p0 $0x0;
	s28 =	simm.s32 @!p0 $0x80;
	s19 =	sadd.s32 @!p0 s1, s19  }
0x16e: {  	[tilespmem:s30], [sflag:$0x1] =	stream.strided.gather @!p0 [hbm4b:s19+s28], $0x18700, s29, s28, $0x38;
	[tilespmem:$0x1E700] =	vst v63  }
0x16f: {  	s19 =	sshll.u32 @!p0 s0, $0xC  }
0x170: {  	s2 =	sshll.u32 @!p0 s2, $0x4;
	s19 =	sand.u32 @!p0 $0x1C000, s19  }
0x171: {  	s2 =	sand.u32 @!p0 $0x70, s2;
	s19 =	sadd.s32 @!p0 s4, s19  }
0x172: {  	s2 =	sadd.s32 @!p0 s2, s19;
	s19 =	simm.s32 @!p0 $0x18700  }
0x173: {  	[tilespmem:s19], [sflag:$0x2] =	stream.strided.gather @!p0 [hbm4b:s2+s28], $0x4000, s29, s28, $0x38;
	[tilespmem:$0x1E700] =	vst v63  }
0x174: {  	p0 =	sne.s32 s0, $0xD;
	_ =	swait.ge [sflag:s24], $0x1000  }
.Ltmp8:
0x175: {  	[sflag:s24] =	ssyncset.done $0x0;
	(pc) =	sbr.rel @p0 .LBB2_2-.Ltmp8, $4  }
0x176: {  	[sflag:s24] =	ssyncadd.s32 $0xFFFFF000  }
0x177: {  	_ =	swait.ge [sflag:s25], $0x1000  }
0x178: {  	[sflag:s25] =	ssyncset.done $0x0  }
0x179: {  	s28 =	smov.u32 s0;
	[sflag:s25] =	ssyncadd.s32 $0xFFFFF000  }
0x17a: {  	s26 =	sadd.s32 $0x1, s26  }
0x17b: {  	p0 =	sne.s32 s26, s16  }
.Ltmp9:
0x17c: {  	_ = 	snop;
	(pc) =	sbr.rel @p0 .LBB2_1-.Ltmp9, $1  }
0x17d: {  	_ =	sdelay $0x3  }
0x17e: {  	_ =	sfence.sel $0x180000  }
0x17f: {  	[bflag:$0x0] =	sbarrier.arrive $0xFFFF  }
0x180: {  	_ =	strace $0x90000047  }
0x181: {  	s0 =	stileid.u32;
	[bflag:$0x2] =	sbarrier.arrive $0xFFFF  }
0x182: {  	p0 =	sne.s32 s0, $0x0;
	s0 =	rddreg [dreg:$0x3]  }
0x183: {  	s0 =	sadd.s32 @!p0 $0x100000, s0  }
0x184: {  	[sflag:s0] =	ssyncadd.tile.s32 @!p0 $0x1;
	_ =	shalt  }
.Lfunc_end2:
_tile_overlayer_lowered:
.L_overlay_start_2:
0x185: {  	(tag) =	ssettag $0x2  }
0x186: {  	s0 =	rddreg [dreg:$0x0];
	s2 =	stileid.u32  }
0x187: {  	s1 =	rddreg [dreg:$0x1];
	p0 =	sne.s32 s2, $0x0  }
0x188: {  	s3 =	rddreg [dreg:$0x2];
	[bflag:$0x3] =	sbarrier.arrive $0xFFFF;
	s2 =	simm.s32 @!p0 $0x1C05  }
0x189: {  	[timem:s3], [sflag:s2] =	dma.local @!p0 [hbm:s0], s1  }
0x18a: {  	s0 =	simm.s32 @!p0 $0x5  }
0x18b: {  	_ =	swait.ge @!p0 [sflag:s0], s1  }
0x18c: {  	s1 =	ssub.s32 @!p0 $0x0, s1;
	[sflag:s0] =	ssyncset.done @!p0 $0x0  }
0x18d: {  	[sflag:s0] =	ssyncadd.s32 @!p0 s1  }
0x18e: {  	[bflag:$0x3] =	sbarrier.arrive $0xFFFF  }
0x18f: {  	_ =	shalt  }

</sc_bundles>
